<compile_context>
chip_gen: v7x
topology: tpu7x:2x2x1
jax: 0.10.2.dev20260603
libtpu: 0.0.44.dev20260713+nightly
codegen_flags: <defaults>
</compile_context>

<pallas_src>
import functools

import jax
import jax.numpy as jnp
from jax import lax
from jax.experimental import pallas as pl
from jax.experimental.pallas import tpu as pltpu
from jax.experimental.pallas import tpu_sc as plsc

N = 10000
D = 128
E = 320000
OUT = 64
NC = 2
NS = 16
NW = NC * NS
NP = 10240
RPT = NP // NS
EPT = E // NW
K = 128
NCH = 80

_mesh = plsc.VectorSubcoreMesh(core_axis_name="c", subcore_axis_name="s")


@functools.partial(
    pl.kernel,
    mesh=_mesh,
    out_type=jax.ShapeDtypeStruct((NC, NP, D), jnp.float32),
    scratch_types=[
        pltpu.VMEM((NCH, K), jnp.int32),
        pltpu.VMEM((K, D), jnp.float32),
        pltpu.VMEM_SHARED((NP, D), jnp.float32),
        pltpu.SemaphoreType.DMA,
    ],
)
def _sc_degree(dst_hbm, ones_hbm, zeros_hbm, out_hbm, dst_v, ones_v, dacc,
               sem):
    cid = lax.axis_index("c")
    sid = lax.axis_index("s")
    wid = sid * NC + cid
    pltpu.sync_copy(dst_hbm.at[wid], dst_v)
    pltpu.sync_copy(ones_hbm, ones_v)
    pltpu.sync_copy(zeros_hbm, dacc.at[pl.ds(sid * RPT, RPT)])
    plsc.subcore_barrier()

    def body(j, c):
        pltpu.sync_copy(ones_v, dacc.at[dst_v.at[j]], add=True)
        return c

    lax.fori_loop(0, NCH, body, 0)
    plsc.subcore_barrier()
    pltpu.sync_copy(dacc.at[pl.ds(sid * RPT, RPT)],
                    out_hbm.at[cid, pl.ds(sid * RPT, RPT)])


@functools.partial(
    pl.kernel,
    mesh=_mesh,
    out_type=jax.ShapeDtypeStruct((NC, NP, D), jnp.float32),
    scratch_types=[
        pltpu.VMEM((NCH, K), jnp.int32),
        pltpu.VMEM((NCH, K), jnp.int32),
        pltpu.VMEM((K, D), jnp.float32),
        pltpu.VMEM_SHARED((NP, D), jnp.float32),
        pltpu.SemaphoreType.DMA,
    ],
)
def _sc_gather_scatter(hs_hbm, src_hbm, dst_hbm, zeros_hbm, out_hbm,
                       src_v, dst_v, buf, acc, sem):
    cid = lax.axis_index("c")
    sid = lax.axis_index("s")
    wid = sid * NC + cid
    pltpu.sync_copy(src_hbm.at[wid], src_v)
    pltpu.sync_copy(dst_hbm.at[wid], dst_v)
    pltpu.sync_copy(zeros_hbm, acc.at[pl.ds(sid * RPT, RPT)])
    plsc.subcore_barrier()

    def body(j, c):
        pltpu.async_copy(hs_hbm.at[src_v.at[j]], buf, sem).wait()
        pltpu.sync_copy(buf, acc.at[dst_v.at[j]], add=True)
        return c

    lax.fori_loop(0, NCH, body, 0)
    plsc.subcore_barrier()
    pltpu.sync_copy(acc.at[pl.ds(sid * RPT, RPT)],
                    out_hbm.at[cid, pl.ds(sid * RPT, RPT)])


def _tc_first_body(x_ref, w_ref, degs_ref, hs_ref, dinv_ref):
    deg = degs_ref[0, :, 0:1] + degs_ref[1, :, 0:1] + 1.0
    dinv = lax.rsqrt(deg)
    dinv_ref[...] = dinv
    h = jnp.dot(x_ref[...], w_ref[...], preferred_element_type=jnp.float32)
    hs_ref[0:N, :] = h * dinv[0:N]
    hs_ref[N:NP, :] = jnp.zeros((NP - N, D), jnp.float32)


def _graphnorm_relu(accs_ref, hs_ref, dinv_ref, b_ref, g_ref, be_ref, a_ref):
    dinv = dinv_ref[0:N]
    asum = accs_ref[0, 0:N, :] + accs_ref[1, 0:N, :] + hs_ref[0:N, :]
    z = dinv * asum + b_ref[...]
    m = jnp.mean(z, axis=0, keepdims=True)
    sub = z - a_ref[...] * m
    var = jnp.mean(sub * sub, axis=0, keepdims=True)
    y = g_ref[...] * sub / jnp.sqrt(var + 1e-5) + be_ref[...]
    return jnp.maximum(y, 0.0), dinv


def _tc_mid_body(accs_ref, hs_ref, dinv_ref, wn_ref, b_ref, g_ref, be_ref,
                 a_ref, out_ref):
    y, dinv = _graphnorm_relu(accs_ref, hs_ref, dinv_ref, b_ref, g_ref,
                              be_ref, a_ref)
    hn = jnp.dot(y, wn_ref[...], preferred_element_type=jnp.float32)
    out_ref[0:N, :] = hn * dinv
    out_ref[N:NP, :] = jnp.zeros((NP - N, D), jnp.float32)


def _tc_last_body(accs_ref, hs_ref, dinv_ref, wl_ref, b_ref, g_ref, be_ref,
                  a_ref, bl_ref, out_ref):
    y, _ = _graphnorm_relu(accs_ref, hs_ref, dinv_ref, b_ref, g_ref,
                           be_ref, a_ref)
    pooled = jnp.mean(y, axis=0, keepdims=True)
    out_ref[...] = (jnp.dot(pooled, wl_ref[...],
                            preferred_element_type=jnp.float32) + bl_ref[...])


_tc_first = pl.pallas_call(
    _tc_first_body,
    out_shape=(jax.ShapeDtypeStruct((NP, D), jnp.float32),
               jax.ShapeDtypeStruct((NP, 1), jnp.float32)))
_tc_mid = pl.pallas_call(
    _tc_mid_body, out_shape=jax.ShapeDtypeStruct((NP, D), jnp.float32))
_tc_last = pl.pallas_call(
    _tc_last_body, out_shape=jax.ShapeDtypeStruct((1, OUT), jnp.float32))


def kernel(x, edge_index, W1, b1, g1, be1, a1, W2, b2, g2, be2, a2,
           W3, b3, g3, be3, a3, W4, b4, g4, be4, a4, Wl, bl):
    pad = NCH * K - EPT
    src_t = jnp.pad(edge_index[0].reshape(NW, EPT),
                    ((0, 0), (0, pad))).reshape(NW, NCH, K)
    dst_t = jnp.pad(edge_index[1].reshape(NW, EPT), ((0, 0), (0, pad)),
                    constant_values=NP - 1).reshape(NW, NCH, K)
    onesD = jnp.ones((K, D), jnp.float32)
    zerosD = jnp.zeros((RPT, D), jnp.float32)

    degs = _sc_degree(dst_t, onesD, zerosD)

    hs, dinv = _tc_first(x, W1, degs)
    layer = [(b1, g1, be1, a1), (b2, g2, be2, a2),
             (b3, g3, be3, a3), (b4, g4, be4, a4)]
    wnext = [W2, W3, W4]
    for i in range(3):
        accs = _sc_gather_scatter(hs, src_t, dst_t, zerosD)
        b, g, be, a = layer[i]
        hs = _tc_mid(accs, hs, dinv, wnext[i], b.reshape(1, D),
                     g.reshape(1, D), be.reshape(1, D), a.reshape(1, D))
    accs = _sc_gather_scatter(hs, src_t, dst_t, zerosD)
    b, g, be, a = layer[3]
    return _tc_last(accs, hs, dinv, Wl, b.reshape(1, D), g.reshape(1, D),
                    be.reshape(1, D), a.reshape(1, D), bl.reshape(1, OUT))

# --- scband reference (transcript-rebuilt; emitter-appended) ---
"""Pipeline reference for scband-gnn-24541443129822 (READ-ONLY COPY).

The authoritative reference and input builder live on the scoring server;
editing this copy changes nothing except your own understanding.
"""

import jax, jax.numpy as jnp
import numpy as np

N = 10000
E = 320000
D = 128
HID = [128, 128, 128, 128]
OUT = 64


def setup_inputs(seed: int = 0) -> dict:
    key = jax.random.key(seed)
    ks = jax.random.split(key, 32)
    inp = {}
    inp['x'] = jax.random.normal(ks[0], (N, D), dtype=jnp.float32)
    inp['edge_index'] = jax.random.randint(ks[1], (2, E), 0, N, dtype=jnp.int32)
    dims = [D] + HID
    ki = 2
    for i in range(4):
        din, dout = dims[i], dims[i + 1]
        inp['W%d' % (i + 1)] = jax.random.normal(ks[ki], (din, dout), dtype=jnp.float32) * 0.05
        ki += 1
        inp['b%d' % (i + 1)] = jnp.zeros((dout,), dtype=jnp.float32)
        inp['g%d' % (i + 1)] = jnp.ones((dout,), dtype=jnp.float32)
        inp['be%d' % (i + 1)] = jnp.zeros((dout,), dtype=jnp.float32)
        inp['a%d' % (i + 1)] = jnp.ones((dout,), dtype=jnp.float32)
    inp['Wl'] = jax.random.normal(ks[ki], (HID[3], OUT), dtype=jnp.float32) * 0.05
    inp['bl'] = jnp.zeros((OUT,), dtype=jnp.float32)
    return inp


def gcn_conv(x, edge_index, W, b):
    n = x.shape[0]
    loop = jnp.arange(n, dtype=edge_index.dtype)
    src = jnp.concatenate([edge_index[0], loop])
    dst = jnp.concatenate([edge_index[1], loop])
    deg = jnp.zeros((n,), jnp.float32).at[dst].add(1.0)
    dinv = jnp.where(deg > 0, jax.lax.rsqrt(deg), 0.0)
    norm = dinv[src] * dinv[dst]
    h = x @ W
    msg = h[src] * norm[:, None]
    out = jax.ops.segment_sum(msg, dst, num_segments=n)
    return out + b


def graph_norm(x, g, be, a, eps=1e-5):
    # PyG GraphNorm, single graph (batch=None)
    mean = jnp.mean(x, axis=0, keepdims=True)
    sub = x - a * mean
    var = jnp.mean(sub * sub, axis=0, keepdims=True)
    return g * sub / jnp.sqrt(var + eps) + be


def reference(x, edge_index, W1, b1, g1, be1, a1, W2, b2, g2, be2, a2, W3, b3, g3, be3, a3, W4, b4, g4, be4, a4, Wl, bl):
    h = jax.nn.relu(graph_norm(gcn_conv(x, edge_index, W1, b1), g1, be1, a1))
    h = jax.nn.relu(graph_norm(gcn_conv(h, edge_index, W2, b2), g2, be2, a2))
    h = jax.nn.relu(graph_norm(gcn_conv(h, edge_index, W3, b3), g3, be3, a3))
    h = jax.nn.relu(graph_norm(gcn_conv(h, edge_index, W4, b4), g4, be4, a4))
    # global_mean_pool with batch=None -> mean over all nodes, shape [1, d]
    pooled = jnp.mean(h, axis=0, keepdims=True)
    return pooled @ Wl + bl

if __name__ == "__main__":
    import jax
    _d = setup_inputs()
    print(jax.jit(kernel)(*tuple(_d.values())))

</pallas_src>

<mosaic_0001>
#map = affine_map<(d0, d1) -> (0, 0, 0)>
#map1 = affine_map<(d0, d1) -> (0, 0)>
module attributes {stable_mosaic.version = 14 : i64} {
  func.func @_sc_degree(%arg0: i32, %arg1: i32, %arg2: memref<32x80x128xi32, #tpu.memory_space<hbm>>, %arg3: memref<128x128xf32, #tpu.memory_space<hbm>>, %arg4: memref<640x128xf32, #tpu.memory_space<hbm>>, %arg5: memref<2x10240x128xf32, #tpu.memory_space<hbm>>, %arg6: memref<80x128xi32, #tpu.memory_space<vmem>>, %arg7: memref<128x128xf32, #tpu.memory_space<vmem>>, %arg8: memref<10240x128xf32, #tpu.memory_space<vmem_shared>>, %arg9: memref<!tpu.dma_semaphore, #tpu.memory_space<semaphore_mem>>) attributes {dimension_semantics = [#tpu.dimension_semantics<core_parallel>, #tpu.dimension_semantics<subcore_parallel>], iteration_bounds = array<i64: 2, 16>, scalar_prefetch = 0 : i64, scratch_operands = 4 : i64, tpu.core_type = #tpu.core_type<sc_vector_subcore>, window_params = [{transform_indices = #map}, {transform_indices = #map1}, {transform_indices = #map1}, {transform_indices = #map}]} {
    %mul3A = arith.constant 2 : i32
    %mul3A_0 = arith.muli %arg1, %mul3A : i32
    %add3A = arith.addi %mul3A_0, %arg0 : i32
    "tpu.region"() ({
      %run_scoped3A = tpu.sem_alloc : memref<!tpu.dma_semaphore, #tpu.memory_space<semaphore_mem>>
      %dma_start3A = arith.constant 0 : i32
      %dma_start3A_13 = arith.constant 0 : i32
      %dma_start3A_14 = tpu.memref_slice %arg2[%add3A, %dma_start3A, %dma_start3A_13] : memref<32x80x128xi32, #tpu.memory_space<hbm>> -> memref<1x80x128xi32, #tpu.memory_space<hbm>>
      %dma_start3A_15 = tpu.memref_squeeze %dma_start3A_14 : memref<1x80x128xi32, #tpu.memory_space<hbm>> -> memref<80x128xi32, #tpu.memory_space<hbm>>
      %dma_start3A_16 = arith.constant 0 : i32
      %dma_start3A_17 = arith.constant 0 : i32
      %dma_start3A_18 = tpu.memref_slice %arg2[%add3A, %dma_start3A_16, %dma_start3A_17] : memref<32x80x128xi32, #tpu.memory_space<hbm>> -> memref<1x80x128xi32, #tpu.memory_space<hbm>>
      %dma_start3A_19 = tpu.memref_squeeze %dma_start3A_18 : memref<1x80x128xi32, #tpu.memory_space<hbm>> -> memref<80x128xi32, #tpu.memory_space<hbm>>
      tpu.enqueue_dma source(%dma_start3A_19 : memref<80x128xi32, #tpu.memory_space<hbm>>) target(%arg6 : memref<80x128xi32, #tpu.memory_space<vmem>>) target_semaphore(%run_scoped3A : memref<!tpu.dma_semaphore, #tpu.memory_space<semaphore_mem>>)
      %dma_wait3A = arith.constant 0 : i32
      %dma_wait3A_20 = arith.constant 0 : i32
      %dma_wait3A_21 = tpu.memref_slice %arg2[%add3A, %dma_wait3A, %dma_wait3A_20] : memref<32x80x128xi32, #tpu.memory_space<hbm>> -> memref<1x80x128xi32, #tpu.memory_space<hbm>>
      %dma_wait3A_22 = tpu.memref_squeeze %dma_wait3A_21 : memref<1x80x128xi32, #tpu.memory_space<hbm>> -> memref<80x128xi32, #tpu.memory_space<hbm>>
      %dma_wait3A_23 = arith.constant 0 : i32
      %dma_wait3A_24 = arith.constant 0 : i32
      %dma_wait3A_25 = tpu.memref_slice %arg2[%add3A, %dma_wait3A_23, %dma_wait3A_24] : memref<32x80x128xi32, #tpu.memory_space<hbm>> -> memref<1x80x128xi32, #tpu.memory_space<hbm>>
      %dma_wait3A_26 = tpu.memref_squeeze %dma_wait3A_25 : memref<1x80x128xi32, #tpu.memory_space<hbm>> -> memref<80x128xi32, #tpu.memory_space<hbm>>
      tpu.wait_dma2 semaphore(%run_scoped3A : memref<!tpu.dma_semaphore, #tpu.memory_space<semaphore_mem>>) src(%dma_wait3A_26 : memref<80x128xi32, #tpu.memory_space<hbm>>) dst(%arg6 : memref<80x128xi32, #tpu.memory_space<vmem>>)
      tpu.yield
    }) : () -> ()
    "tpu.region"() ({
      %run_scoped3A = tpu.sem_alloc : memref<!tpu.dma_semaphore, #tpu.memory_space<semaphore_mem>>
      tpu.enqueue_dma source(%arg3 : memref<128x128xf32, #tpu.memory_space<hbm>>) target(%arg7 : memref<128x128xf32, #tpu.memory_space<vmem>>) target_semaphore(%run_scoped3A : memref<!tpu.dma_semaphore, #tpu.memory_space<semaphore_mem>>)
      tpu.wait_dma2 semaphore(%run_scoped3A : memref<!tpu.dma_semaphore, #tpu.memory_space<semaphore_mem>>) src(%arg3 : memref<128x128xf32, #tpu.memory_space<hbm>>) dst(%arg7 : memref<128x128xf32, #tpu.memory_space<vmem>>)
      tpu.yield
    }) : () -> ()
    %mul3A_1 = arith.constant 640 : i32
    %mul3A_2 = arith.muli %arg1, %mul3A_1 : i32
    "tpu.region"() ({
      %run_scoped3A = tpu.sem_alloc : memref<!tpu.dma_semaphore, #tpu.memory_space<semaphore_mem>>
      %dma_start3A = arith.constant 0 : i32
      %dma_start3A_13 = tpu.memref_slice %arg8[%mul3A_2, %dma_start3A] : memref<10240x128xf32, #tpu.memory_space<vmem_shared>> -> memref<640x128xf32, #tpu.memory_space<vmem_shared>>
      tpu.enqueue_dma source(%arg4 : memref<640x128xf32, #tpu.memory_space<hbm>>) target(%dma_start3A_13 : memref<640x128xf32, #tpu.memory_space<vmem_shared>>) target_semaphore(%run_scoped3A : memref<!tpu.dma_semaphore, #tpu.memory_space<semaphore_mem>>)
      %dma_wait3A = arith.constant 0 : i32
      %dma_wait3A_14 = tpu.memref_slice %arg8[%mul3A_2, %dma_wait3A] : memref<10240x128xf32, #tpu.memory_space<vmem_shared>> -> memref<640x128xf32, #tpu.memory_space<vmem_shared>>
      tpu.wait_dma2 semaphore(%run_scoped3A : memref<!tpu.dma_semaphore, #tpu.memory_space<semaphore_mem>>) src(%arg4 : memref<640x128xf32, #tpu.memory_space<hbm>>) dst(%dma_wait3A_14 : memref<640x128xf32, #tpu.memory_space<vmem_shared>>)
      tpu.yield
    }) : () -> ()
    %barrier3A = arith.constant 0 : index
    tpu.barrier barrier_id(%barrier3A)
    %scan3A = arith.constant 0 : i32
    %scan3A_3 = arith.constant 0 : i32
    %scan3A_4 = arith.constant 80 : i32
    %scan3A_5 = arith.addi %scan3A_3, %scan3A_4 : i32
    %scan3A_6 = arith.constant 1 : i32
    scf.for %scan3A_13 = %scan3A_3 to %scan3A_5 step %scan3A_6  : i32 {
      "tpu.region"() ({
        %run_scoped3A = tpu.sem_alloc : memref<!tpu.dma_semaphore, #tpu.memory_space<semaphore_mem>>
        %dma_start3A = arith.constant 0 : i32
        %dma_start3A_14 = tpu.memref_slice %arg6[%scan3A_13, %dma_start3A] : memref<80x128xi32, #tpu.memory_space<vmem>> -> memref<1x128xi32, #tpu.memory_space<vmem>>
        %dma_start3A_15 = tpu.memref_squeeze %dma_start3A_14 : memref<1x128xi32, #tpu.memory_space<vmem>> -> memref<128xi32, #tpu.memory_space<vmem>>
        %dma_start3A_16 = arith.constant 0 : i32
        %dma_start3A_17 = arith.constant 0 : i32
        %dma_start3A_18 = tpu.memref_slice %arg8[%dma_start3A_16, %dma_start3A_17] : memref<10240x128xf32, #tpu.memory_space<vmem_shared>> -> memref<10240x128xf32, #tpu.memory_space<vmem_shared>>
        tpu.enqueue_indirect_dma source(%arg7 : memref<128x128xf32, #tpu.memory_space<vmem>>) target(%dma_start3A_18 : memref<10240x128xf32, #tpu.memory_space<vmem_shared>>) offsets(%dma_start3A_15 : memref<128xi32, #tpu.memory_space<vmem>>) semaphore(%run_scoped3A : memref<!tpu.dma_semaphore, #tpu.memory_space<semaphore_mem>>) {add = true}
        %dma_wait3A = arith.constant 0 : i32
        %dma_wait3A_19 = tpu.memref_slice %arg6[%scan3A_13, %dma_wait3A] : memref<80x128xi32, #tpu.memory_space<vmem>> -> memref<1x128xi32, #tpu.memory_space<vmem>>
        %dma_wait3A_20 = tpu.memref_squeeze %dma_wait3A_19 : memref<1x128xi32, #tpu.memory_space<vmem>> -> memref<128xi32, #tpu.memory_space<vmem>>
        %dma_wait3A_21 = arith.constant 0 : i32
        %dma_wait3A_22 = arith.constant 0 : i32
        %dma_wait3A_23 = tpu.memref_slice %arg8[%dma_wait3A_21, %dma_wait3A_22] : memref<10240x128xf32, #tpu.memory_space<vmem_shared>> -> memref<10240x128xf32, #tpu.memory_space<vmem_shared>>
        tpu.wait_indirect_dma semaphore(%run_scoped3A : memref<!tpu.dma_semaphore, #tpu.memory_space<semaphore_mem>>) src(%arg7 : memref<128x128xf32, #tpu.memory_space<vmem>>) dst(%dma_wait3A_23 : memref<10240x128xf32, #tpu.memory_space<vmem_shared>>)
        tpu.yield
      }) : () -> ()
    }
    %scan3A_7 = arith.constant 80 : i32
    %barrier3A_8 = arith.constant 0 : index
    tpu.barrier barrier_id(%barrier3A_8)
    %mul3A_9 = arith.constant 640 : i32
    %mul3A_10 = arith.muli %arg1, %mul3A_9 : i32
    %mul3A_11 = arith.constant 640 : i32
    %mul3A_12 = arith.muli %arg1, %mul3A_11 : i32
    "tpu.region"() ({
      %run_scoped3A = tpu.sem_alloc : memref<!tpu.dma_semaphore, #tpu.memory_space<semaphore_mem>>
      %dma_start3A = arith.constant 0 : i32
      %dma_start3A_13 = tpu.memref_slice %arg5[%arg0, %mul3A_12, %dma_start3A] : memref<2x10240x128xf32, #tpu.memory_space<hbm>> -> memref<1x640x128xf32, #tpu.memory_space<hbm>>
      %dma_start3A_14 = tpu.memref_squeeze %dma_start3A_13 : memref<1x640x128xf32, #tpu.memory_space<hbm>> -> memref<640x128xf32, #tpu.memory_space<hbm>>
      %dma_start3A_15 = arith.constant 0 : i32
      %dma_start3A_16 = tpu.memref_slice %arg8[%mul3A_10, %dma_start3A_15] : memref<10240x128xf32, #tpu.memory_space<vmem_shared>> -> memref<640x128xf32, #tpu.memory_space<vmem_shared>>
      tpu.enqueue_dma source(%dma_start3A_16 : memref<640x128xf32, #tpu.memory_space<vmem_shared>>) target(%dma_start3A_14 : memref<640x128xf32, #tpu.memory_space<hbm>>) target_semaphore(%run_scoped3A : memref<!tpu.dma_semaphore, #tpu.memory_space<semaphore_mem>>)
      %dma_wait3A = arith.constant 0 : i32
      %dma_wait3A_17 = tpu.memref_slice %arg5[%arg0, %mul3A_12, %dma_wait3A] : memref<2x10240x128xf32, #tpu.memory_space<hbm>> -> memref<1x640x128xf32, #tpu.memory_space<hbm>>
      %dma_wait3A_18 = tpu.memref_squeeze %dma_wait3A_17 : memref<1x640x128xf32, #tpu.memory_space<hbm>> -> memref<640x128xf32, #tpu.memory_space<hbm>>
      %dma_wait3A_19 = arith.constant 0 : i32
      %dma_wait3A_20 = tpu.memref_slice %arg8[%mul3A_10, %dma_wait3A_19] : memref<10240x128xf32, #tpu.memory_space<vmem_shared>> -> memref<640x128xf32, #tpu.memory_space<vmem_shared>>
      tpu.wait_dma2 semaphore(%run_scoped3A : memref<!tpu.dma_semaphore, #tpu.memory_space<semaphore_mem>>) src(%dma_wait3A_20 : memref<640x128xf32, #tpu.memory_space<vmem_shared>>) dst(%dma_wait3A_18 : memref<640x128xf32, #tpu.memory_space<hbm>>)
      tpu.yield
    }) : () -> ()
    return
  }
}

#map = affine_map<(d0, d1) -> (0, 0)>
#map1 = affine_map<(d0, d1) -> (0, 0, 0)>
module attributes {stable_mosaic.version = 14 : i64} {
  func.func @_sc_gather_scatter(%arg0: i32, %arg1: i32, %arg2: memref<10240x128xf32, #tpu.memory_space<hbm>>, %arg3: memref<32x80x128xi32, #tpu.memory_space<hbm>>, %arg4: memref<32x80x128xi32, #tpu.memory_space<hbm>>, %arg5: memref<640x128xf32, #tpu.memory_space<hbm>>, %arg6: memref<2x10240x128xf32, #tpu.memory_space<hbm>>, %arg7: memref<80x128xi32, #tpu.memory_space<vmem>>, %arg8: memref<80x128xi32, #tpu.memory_space<vmem>>, %arg9: memref<128x128xf32, #tpu.memory_space<vmem>>, %arg10: memref<10240x128xf32, #tpu.memory_space<vmem_shared>>, %arg11: memref<!tpu.dma_semaphore, #tpu.memory_space<semaphore_mem>>) attributes {dimension_semantics = [#tpu.dimension_semantics<core_parallel>, #tpu.dimension_semantics<subcore_parallel>], iteration_bounds = array<i64: 2, 16>, scalar_prefetch = 0 : i64, scratch_operands = 5 : i64, tpu.core_type = #tpu.core_type<sc_vector_subcore>, window_params = [{transform_indices = #map}, {transform_indices = #map1}, {transform_indices = #map1}, {transform_indices = #map}, {transform_indices = #map1}]} {
    %mul3A = arith.constant 2 : i32
    %mul3A_0 = arith.muli %arg1, %mul3A : i32
    %add3A = arith.addi %mul3A_0, %arg0 : i32
    "tpu.region"() ({
      %run_scoped3A = tpu.sem_alloc : memref<!tpu.dma_semaphore, #tpu.memory_space<semaphore_mem>>
      %dma_start3A = arith.constant 0 : i32
      %dma_start3A_13 = arith.constant 0 : i32
      %dma_start3A_14 = tpu.memref_slice %arg3[%add3A, %dma_start3A, %dma_start3A_13] : memref<32x80x128xi32, #tpu.memory_space<hbm>> -> memref<1x80x128xi32, #tpu.memory_space<hbm>>
      %dma_start3A_15 = tpu.memref_squeeze %dma_start3A_14 : memref<1x80x128xi32, #tpu.memory_space<hbm>> -> memref<80x128xi32, #tpu.memory_space<hbm>>
      %dma_start3A_16 = arith.constant 0 : i32
      %dma_start3A_17 = arith.constant 0 : i32
      %dma_start3A_18 = tpu.memref_slice %arg3[%add3A, %dma_start3A_16, %dma_start3A_17] : memref<32x80x128xi32, #tpu.memory_space<hbm>> -> memref<1x80x128xi32, #tpu.memory_space<hbm>>
      %dma_start3A_19 = tpu.memref_squeeze %dma_start3A_18 : memref<1x80x128xi32, #tpu.memory_space<hbm>> -> memref<80x128xi32, #tpu.memory_space<hbm>>
      tpu.enqueue_dma source(%dma_start3A_19 : memref<80x128xi32, #tpu.memory_space<hbm>>) target(%arg7 : memref<80x128xi32, #tpu.memory_space<vmem>>) target_semaphore(%run_scoped3A : memref<!tpu.dma_semaphore, #tpu.memory_space<semaphore_mem>>)
      %dma_wait3A = arith.constant 0 : i32
      %dma_wait3A_20 = arith.constant 0 : i32
      %dma_wait3A_21 = tpu.memref_slice %arg3[%add3A, %dma_wait3A, %dma_wait3A_20] : memref<32x80x128xi32, #tpu.memory_space<hbm>> -> memref<1x80x128xi32, #tpu.memory_space<hbm>>
      %dma_wait3A_22 = tpu.memref_squeeze %dma_wait3A_21 : memref<1x80x128xi32, #tpu.memory_space<hbm>> -> memref<80x128xi32, #tpu.memory_space<hbm>>
      %dma_wait3A_23 = arith.constant 0 : i32
      %dma_wait3A_24 = arith.constant 0 : i32
      %dma_wait3A_25 = tpu.memref_slice %arg3[%add3A, %dma_wait3A_23, %dma_wait3A_24] : memref<32x80x128xi32, #tpu.memory_space<hbm>> -> memref<1x80x128xi32, #tpu.memory_space<hbm>>
      %dma_wait3A_26 = tpu.memref_squeeze %dma_wait3A_25 : memref<1x80x128xi32, #tpu.memory_space<hbm>> -> memref<80x128xi32, #tpu.memory_space<hbm>>
      tpu.wait_dma2 semaphore(%run_scoped3A : memref<!tpu.dma_semaphore, #tpu.memory_space<semaphore_mem>>) src(%dma_wait3A_26 : memref<80x128xi32, #tpu.memory_space<hbm>>) dst(%arg7 : memref<80x128xi32, #tpu.memory_space<vmem>>)
      tpu.yield
    }) : () -> ()
    "tpu.region"() ({
      %run_scoped3A = tpu.sem_alloc : memref<!tpu.dma_semaphore, #tpu.memory_space<semaphore_mem>>
      %dma_start3A = arith.constant 0 : i32
      %dma_start3A_13 = arith.constant 0 : i32
      %dma_start3A_14 = tpu.memref_slice %arg4[%add3A, %dma_start3A, %dma_start3A_13] : memref<32x80x128xi32, #tpu.memory_space<hbm>> -> memref<1x80x128xi32, #tpu.memory_space<hbm>>
      %dma_start3A_15 = tpu.memref_squeeze %dma_start3A_14 : memref<1x80x128xi32, #tpu.memory_space<hbm>> -> memref<80x128xi32, #tpu.memory_space<hbm>>
      %dma_start3A_16 = arith.constant 0 : i32
      %dma_start3A_17 = arith.constant 0 : i32
      %dma_start3A_18 = tpu.memref_slice %arg4[%add3A, %dma_start3A_16, %dma_start3A_17] : memref<32x80x128xi32, #tpu.memory_space<hbm>> -> memref<1x80x128xi32, #tpu.memory_space<hbm>>
      %dma_start3A_19 = tpu.memref_squeeze %dma_start3A_18 : memref<1x80x128xi32, #tpu.memory_space<hbm>> -> memref<80x128xi32, #tpu.memory_space<hbm>>
      tpu.enqueue_dma source(%dma_start3A_19 : memref<80x128xi32, #tpu.memory_space<hbm>>) target(%arg8 : memref<80x128xi32, #tpu.memory_space<vmem>>) target_semaphore(%run_scoped3A : memref<!tpu.dma_semaphore, #tpu.memory_space<semaphore_mem>>)
      %dma_wait3A = arith.constant 0 : i32
      %dma_wait3A_20 = arith.constant 0 : i32
      %dma_wait3A_21 = tpu.memref_slice %arg4[%add3A, %dma_wait3A, %dma_wait3A_20] : memref<32x80x128xi32, #tpu.memory_space<hbm>> -> memref<1x80x128xi32, #tpu.memory_space<hbm>>
      %dma_wait3A_22 = tpu.memref_squeeze %dma_wait3A_21 : memref<1x80x128xi32, #tpu.memory_space<hbm>> -> memref<80x128xi32, #tpu.memory_space<hbm>>
      %dma_wait3A_23 = arith.constant 0 : i32
      %dma_wait3A_24 = arith.constant 0 : i32
      %dma_wait3A_25 = tpu.memref_slice %arg4[%add3A, %dma_wait3A_23, %dma_wait3A_24] : memref<32x80x128xi32, #tpu.memory_space<hbm>> -> memref<1x80x128xi32, #tpu.memory_space<hbm>>
      %dma_wait3A_26 = tpu.memref_squeeze %dma_wait3A_25 : memref<1x80x128xi32, #tpu.memory_space<hbm>> -> memref<80x128xi32, #tpu.memory_space<hbm>>
      tpu.wait_dma2 semaphore(%run_scoped3A : memref<!tpu.dma_semaphore, #tpu.memory_space<semaphore_mem>>) src(%dma_wait3A_26 : memref<80x128xi32, #tpu.memory_space<hbm>>) dst(%arg8 : memref<80x128xi32, #tpu.memory_space<vmem>>)
      tpu.yield
    }) : () -> ()
    %mul3A_1 = arith.constant 640 : i32
    %mul3A_2 = arith.muli %arg1, %mul3A_1 : i32
    "tpu.region"() ({
      %run_scoped3A = tpu.sem_alloc : memref<!tpu.dma_semaphore, #tpu.memory_space<semaphore_mem>>
      %dma_start3A = arith.constant 0 : i32
      %dma_start3A_13 = tpu.memref_slice %arg10[%mul3A_2, %dma_start3A] : memref<10240x128xf32, #tpu.memory_space<vmem_shared>> -> memref<640x128xf32, #tpu.memory_space<vmem_shared>>
      tpu.enqueue_dma source(%arg5 : memref<640x128xf32, #tpu.memory_space<hbm>>) target(%dma_start3A_13 : memref<640x128xf32, #tpu.memory_space<vmem_shared>>) target_semaphore(%run_scoped3A : memref<!tpu.dma_semaphore, #tpu.memory_space<semaphore_mem>>)
      %dma_wait3A = arith.constant 0 : i32
      %dma_wait3A_14 = tpu.memref_slice %arg10[%mul3A_2, %dma_wait3A] : memref<10240x128xf32, #tpu.memory_space<vmem_shared>> -> memref<640x128xf32, #tpu.memory_space<vmem_shared>>
      tpu.wait_dma2 semaphore(%run_scoped3A : memref<!tpu.dma_semaphore, #tpu.memory_space<semaphore_mem>>) src(%arg5 : memref<640x128xf32, #tpu.memory_space<hbm>>) dst(%dma_wait3A_14 : memref<640x128xf32, #tpu.memory_space<vmem_shared>>)
      tpu.yield
    }) : () -> ()
    %barrier3A = arith.constant 0 : index
    tpu.barrier barrier_id(%barrier3A)
    %scan3A = arith.constant 0 : i32
    %scan3A_3 = arith.constant 0 : i32
    %scan3A_4 = arith.constant 80 : i32
    %scan3A_5 = arith.addi %scan3A_3, %scan3A_4 : i32
    %scan3A_6 = arith.constant 1 : i32
    scf.for %scan3A_13 = %scan3A_3 to %scan3A_5 step %scan3A_6  : i32 {
      %dma_start3A = arith.constant 0 : i32
      %dma_start3A_14 = tpu.memref_slice %arg7[%scan3A_13, %dma_start3A] : memref<80x128xi32, #tpu.memory_space<vmem>> -> memref<1x128xi32, #tpu.memory_space<vmem>>
      %dma_start3A_15 = tpu.memref_squeeze %dma_start3A_14 : memref<1x128xi32, #tpu.memory_space<vmem>> -> memref<128xi32, #tpu.memory_space<vmem>>
      %dma_start3A_16 = arith.constant 0 : i32
      %dma_start3A_17 = arith.constant 0 : i32
      %dma_start3A_18 = tpu.memref_slice %arg2[%dma_start3A_16, %dma_start3A_17] : memref<10240x128xf32, #tpu.memory_space<hbm>> -> memref<10240x128xf32, #tpu.memory_space<hbm>>
      tpu.enqueue_indirect_dma source(%dma_start3A_18 : memref<10240x128xf32, #tpu.memory_space<hbm>>) target(%arg9 : memref<128x128xf32, #tpu.memory_space<vmem>>) offsets(%dma_start3A_15 : memref<128xi32, #tpu.memory_space<vmem>>) semaphore(%arg11 : memref<!tpu.dma_semaphore, #tpu.memory_space<semaphore_mem>>)
      %dma_wait3A = arith.constant 0 : i32
      %dma_wait3A_19 = tpu.memref_slice %arg7[%scan3A_13, %dma_wait3A] : memref<80x128xi32, #tpu.memory_space<vmem>> -> memref<1x128xi32, #tpu.memory_space<vmem>>
      %dma_wait3A_20 = tpu.memref_squeeze %dma_wait3A_19 : memref<1x128xi32, #tpu.memory_space<vmem>> -> memref<128xi32, #tpu.memory_space<vmem>>
      %dma_wait3A_21 = arith.constant 0 : i32
      %dma_wait3A_22 = arith.constant 0 : i32
      %dma_wait3A_23 = tpu.memref_slice %arg2[%dma_wait3A_21, %dma_wait3A_22] : memref<10240x128xf32, #tpu.memory_space<hbm>> -> memref<10240x128xf32, #tpu.memory_space<hbm>>
      tpu.wait_indirect_dma semaphore(%arg11 : memref<!tpu.dma_semaphore, #tpu.memory_space<semaphore_mem>>) src(%dma_wait3A_23 : memref<10240x128xf32, #tpu.memory_space<hbm>>) dst(%arg9 : memref<128x128xf32, #tpu.memory_space<vmem>>)
      "tpu.region"() ({
        %run_scoped3A = tpu.sem_alloc : memref<!tpu.dma_semaphore, #tpu.memory_space<semaphore_mem>>
        %dma_start3A_24 = arith.constant 0 : i32
        %dma_start3A_25 = tpu.memref_slice %arg8[%scan3A_13, %dma_start3A_24] : memref<80x128xi32, #tpu.memory_space<vmem>> -> memref<1x128xi32, #tpu.memory_space<vmem>>
        %dma_start3A_26 = tpu.memref_squeeze %dma_start3A_25 : memref<1x128xi32, #tpu.memory_space<vmem>> -> memref<128xi32, #tpu.memory_space<vmem>>
        %dma_start3A_27 = arith.constant 0 : i32
        %dma_start3A_28 = arith.constant 0 : i32
        %dma_start3A_29 = tpu.memref_slice %arg10[%dma_start3A_27, %dma_start3A_28] : memref<10240x128xf32, #tpu.memory_space<vmem_shared>> -> memref<10240x128xf32, #tpu.memory_space<vmem_shared>>
        tpu.enqueue_indirect_dma source(%arg9 : memref<128x128xf32, #tpu.memory_space<vmem>>) target(%dma_start3A_29 : memref<10240x128xf32, #tpu.memory_space<vmem_shared>>) offsets(%dma_start3A_26 : memref<128xi32, #tpu.memory_space<vmem>>) semaphore(%run_scoped3A : memref<!tpu.dma_semaphore, #tpu.memory_space<semaphore_mem>>) {add = true}
        %dma_wait3A_30 = arith.constant 0 : i32
        %dma_wait3A_31 = tpu.memref_slice %arg8[%scan3A_13, %dma_wait3A_30] : memref<80x128xi32, #tpu.memory_space<vmem>> -> memref<1x128xi32, #tpu.memory_space<vmem>>
        %dma_wait3A_32 = tpu.memref_squeeze %dma_wait3A_31 : memref<1x128xi32, #tpu.memory_space<vmem>> -> memref<128xi32, #tpu.memory_space<vmem>>
        %dma_wait3A_33 = arith.constant 0 : i32
        %dma_wait3A_34 = arith.constant 0 : i32
        %dma_wait3A_35 = tpu.memref_slice %arg10[%dma_wait3A_33, %dma_wait3A_34] : memref<10240x128xf32, #tpu.memory_space<vmem_shared>> -> memref<10240x128xf32, #tpu.memory_space<vmem_shared>>
        tpu.wait_indirect_dma semaphore(%run_scoped3A : memref<!tpu.dma_semaphore, #tpu.memory_space<semaphore_mem>>) src(%arg9 : memref<128x128xf32, #tpu.memory_space<vmem>>) dst(%dma_wait3A_35 : memref<10240x128xf32, #tpu.memory_space<vmem_shared>>)
        tpu.yield
      }) : () -> ()
    }
    %scan3A_7 = arith.constant 80 : i32
    %barrier3A_8 = arith.constant 0 : index
    tpu.barrier barrier_id(%barrier3A_8)
    %mul3A_9 = arith.constant 640 : i32
    %mul3A_10 = arith.muli %arg1, %mul3A_9 : i32
    %mul3A_11 = arith.constant 640 : i32
    %mul3A_12 = arith.muli %arg1, %mul3A_11 : i32
    "tpu.region"() ({
      %run_scoped3A = tpu.sem_alloc : memref<!tpu.dma_semaphore, #tpu.memory_space<semaphore_mem>>
      %dma_start3A = arith.constant 0 : i32
      %dma_start3A_13 = tpu.memref_slice %arg6[%arg0, %mul3A_12, %dma_start3A] : memref<2x10240x128xf32, #tpu.memory_space<hbm>> -> memref<1x640x128xf32, #tpu.memory_space<hbm>>
      %dma_start3A_14 = tpu.memref_squeeze %dma_start3A_13 : memref<1x640x128xf32, #tpu.memory_space<hbm>> -> memref<640x128xf32, #tpu.memory_space<hbm>>
      %dma_start3A_15 = arith.constant 0 : i32
      %dma_start3A_16 = tpu.memref_slice %arg10[%mul3A_10, %dma_start3A_15] : memref<10240x128xf32, #tpu.memory_space<vmem_shared>> -> memref<640x128xf32, #tpu.memory_space<vmem_shared>>
      tpu.enqueue_dma source(%dma_start3A_16 : memref<640x128xf32, #tpu.memory_space<vmem_shared>>) target(%dma_start3A_14 : memref<640x128xf32, #tpu.memory_space<hbm>>) target_semaphore(%run_scoped3A : memref<!tpu.dma_semaphore, #tpu.memory_space<semaphore_mem>>)
      %dma_wait3A = arith.constant 0 : i32
      %dma_wait3A_17 = tpu.memref_slice %arg6[%arg0, %mul3A_12, %dma_wait3A] : memref<2x10240x128xf32, #tpu.memory_space<hbm>> -> memref<1x640x128xf32, #tpu.memory_space<hbm>>
      %dma_wait3A_18 = tpu.memref_squeeze %dma_wait3A_17 : memref<1x640x128xf32, #tpu.memory_space<hbm>> -> memref<640x128xf32, #tpu.memory_space<hbm>>
      %dma_wait3A_19 = arith.constant 0 : i32
      %dma_wait3A_20 = tpu.memref_slice %arg10[%mul3A_10, %dma_wait3A_19] : memref<10240x128xf32, #tpu.memory_space<vmem_shared>> -> memref<640x128xf32, #tpu.memory_space<vmem_shared>>
      tpu.wait_dma2 semaphore(%run_scoped3A : memref<!tpu.dma_semaphore, #tpu.memory_space<semaphore_mem>>) src(%dma_wait3A_20 : memref<640x128xf32, #tpu.memory_space<vmem_shared>>) dst(%dma_wait3A_18 : memref<640x128xf32, #tpu.memory_space<hbm>>)
      tpu.yield
    }) : () -> ()
    return
  }
}

#map = affine_map<(d0, d1) -> (0, 0)>
#map1 = affine_map<(d0, d1) -> (0, 0, 0)>
module attributes {stable_mosaic.version = 14 : i64} {
  func.func @_sc_gather_scatter(%arg0: i32, %arg1: i32, %arg2: memref<10240x128xf32, #tpu.memory_space<hbm>>, %arg3: memref<32x80x128xi32, #tpu.memory_space<hbm>>, %arg4: memref<32x80x128xi32, #tpu.memory_space<hbm>>, %arg5: memref<640x128xf32, #tpu.memory_space<hbm>>, %arg6: memref<2x10240x128xf32, #tpu.memory_space<hbm>>, %arg7: memref<80x128xi32, #tpu.memory_space<vmem>>, %arg8: memref<80x128xi32, #tpu.memory_space<vmem>>, %arg9: memref<128x128xf32, #tpu.memory_space<vmem>>, %arg10: memref<10240x128xf32, #tpu.memory_space<vmem_shared>>, %arg11: memref<!tpu.dma_semaphore, #tpu.memory_space<semaphore_mem>>) attributes {dimension_semantics = [#tpu.dimension_semantics<core_parallel>, #tpu.dimension_semantics<subcore_parallel>], iteration_bounds = array<i64: 2, 16>, scalar_prefetch = 0 : i64, scratch_operands = 5 : i64, tpu.core_type = #tpu.core_type<sc_vector_subcore>, window_params = [{transform_indices = #map}, {transform_indices = #map1}, {transform_indices = #map1}, {transform_indices = #map}, {transform_indices = #map1}]} {
    %mul3A = arith.constant 2 : i32
    %mul3A_0 = arith.muli %arg1, %mul3A : i32
    %add3A = arith.addi %mul3A_0, %arg0 : i32
    "tpu.region"() ({
      %run_scoped3A = tpu.sem_alloc : memref<!tpu.dma_semaphore, #tpu.memory_space<semaphore_mem>>
      %dma_start3A = arith.constant 0 : i32
      %dma_start3A_13 = arith.constant 0 : i32
      %dma_start3A_14 = tpu.memref_slice %arg3[%add3A, %dma_start3A, %dma_start3A_13] : memref<32x80x128xi32, #tpu.memory_space<hbm>> -> memref<1x80x128xi32, #tpu.memory_space<hbm>>
      %dma_start3A_15 = tpu.memref_squeeze %dma_start3A_14 : memref<1x80x128xi32, #tpu.memory_space<hbm>> -> memref<80x128xi32, #tpu.memory_space<hbm>>
      %dma_start3A_16 = arith.constant 0 : i32
      %dma_start3A_17 = arith.constant 0 : i32
      %dma_start3A_18 = tpu.memref_slice %arg3[%add3A, %dma_start3A_16, %dma_start3A_17] : memref<32x80x128xi32, #tpu.memory_space<hbm>> -> memref<1x80x128xi32, #tpu.memory_space<hbm>>
      %dma_start3A_19 = tpu.memref_squeeze %dma_start3A_18 : memref<1x80x128xi32, #tpu.memory_space<hbm>> -> memref<80x128xi32, #tpu.memory_space<hbm>>
      tpu.enqueue_dma source(%dma_start3A_19 : memref<80x128xi32, #tpu.memory_space<hbm>>) target(%arg7 : memref<80x128xi32, #tpu.memory_space<vmem>>) target_semaphore(%run_scoped3A : memref<!tpu.dma_semaphore, #tpu.memory_space<semaphore_mem>>)
      %dma_wait3A = arith.constant 0 : i32
      %dma_wait3A_20 = arith.constant 0 : i32
      %dma_wait3A_21 = tpu.memref_slice %arg3[%add3A, %dma_wait3A, %dma_wait3A_20] : memref<32x80x128xi32, #tpu.memory_space<hbm>> -> memref<1x80x128xi32, #tpu.memory_space<hbm>>
      %dma_wait3A_22 = tpu.memref_squeeze %dma_wait3A_21 : memref<1x80x128xi32, #tpu.memory_space<hbm>> -> memref<80x128xi32, #tpu.memory_space<hbm>>
      %dma_wait3A_23 = arith.constant 0 : i32
      %dma_wait3A_24 = arith.constant 0 : i32
      %dma_wait3A_25 = tpu.memref_slice %arg3[%add3A, %dma_wait3A_23, %dma_wait3A_24] : memref<32x80x128xi32, #tpu.memory_space<hbm>> -> memref<1x80x128xi32, #tpu.memory_space<hbm>>
      %dma_wait3A_26 = tpu.memref_squeeze %dma_wait3A_25 : memref<1x80x128xi32, #tpu.memory_space<hbm>> -> memref<80x128xi32, #tpu.memory_space<hbm>>
      tpu.wait_dma2 semaphore(%run_scoped3A : memref<!tpu.dma_semaphore, #tpu.memory_space<semaphore_mem>>) src(%dma_wait3A_26 : memref<80x128xi32, #tpu.memory_space<hbm>>) dst(%arg7 : memref<80x128xi32, #tpu.memory_space<vmem>>)
      tpu.yield
    }) : () -> ()
    "tpu.region"() ({
      %run_scoped3A = tpu.sem_alloc : memref<!tpu.dma_semaphore, #tpu.memory_space<semaphore_mem>>
      %dma_start3A = arith.constant 0 : i32
      %dma_start3A_13 = arith.constant 0 : i32
      %dma_start3A_14 = tpu.memref_slice %arg4[%add3A, %dma_start3A, %dma_start3A_13] : memref<32x80x128xi32, #tpu.memory_space<hbm>> -> memref<1x80x128xi32, #tpu.memory_space<hbm>>
      %dma_start3A_15 = tpu.memref_squeeze %dma_start3A_14 : memref<1x80x128xi32, #tpu.memory_space<hbm>> -> memref<80x128xi32, #tpu.memory_space<hbm>>
      %dma_start3A_16 = arith.constant 0 : i32
      %dma_start3A_17 = arith.constant 0 : i32
      %dma_start3A_18 = tpu.memref_slice %arg4[%add3A, %dma_start3A_16, %dma_start3A_17] : memref<32x80x128xi32, #tpu.memory_space<hbm>> -> memref<1x80x128xi32, #tpu.memory_space<hbm>>
      %dma_start3A_19 = tpu.memref_squeeze %dma_start3A_18 : memref<1x80x128xi32, #tpu.memory_space<hbm>> -> memref<80x128xi32, #tpu.memory_space<hbm>>
      tpu.enqueue_dma source(%dma_start3A_19 : memref<80x128xi32, #tpu.memory_space<hbm>>) target(%arg8 : memref<80x128xi32, #tpu.memory_space<vmem>>) target_semaphore(%run_scoped3A : memref<!tpu.dma_semaphore, #tpu.memory_space<semaphore_mem>>)
      %dma_wait3A = arith.constant 0 : i32
      %dma_wait3A_20 = arith.constant 0 : i32
      %dma_wait3A_21 = tpu.memref_slice %arg4[%add3A, %dma_wait3A, %dma_wait3A_20] : memref<32x80x128xi32, #tpu.memory_space<hbm>> -> memref<1x80x128xi32, #tpu.memory_space<hbm>>
      %dma_wait3A_22 = tpu.memref_squeeze %dma_wait3A_21 : memref<1x80x128xi32, #tpu.memory_space<hbm>> -> memref<80x128xi32, #tpu.memory_space<hbm>>
      %dma_wait3A_23 = arith.constant 0 : i32
      %dma_wait3A_24 = arith.constant 0 : i32
      %dma_wait3A_25 = tpu.memref_slice %arg4[%add3A, %dma_wait3A_23, %dma_wait3A_24] : memref<32x80x128xi32, #tpu.memory_space<hbm>> -> memref<1x80x128xi32, #tpu.memory_space<hbm>>
      %dma_wait3A_26 = tpu.memref_squeeze %dma_wait3A_25 : memref<1x80x128xi32, #tpu.memory_space<hbm>> -> memref<80x128xi32, #tpu.memory_space<hbm>>
      tpu.wait_dma2 semaphore(%run_scoped3A : memref<!tpu.dma_semaphore, #tpu.memory_space<semaphore_mem>>) src(%dma_wait3A_26 : memref<80x128xi32, #tpu.memory_space<hbm>>) dst(%arg8 : memref<80x128xi32, #tpu.memory_space<vmem>>)
      tpu.yield
    }) : () -> ()
    %mul3A_1 = arith.constant 640 : i32
    %mul3A_2 = arith.muli %arg1, %mul3A_1 : i32
    "tpu.region"() ({
      %run_scoped3A = tpu.sem_alloc : memref<!tpu.dma_semaphore, #tpu.memory_space<semaphore_mem>>
      %dma_start3A = arith.constant 0 : i32
      %dma_start3A_13 = tpu.memref_slice %arg10[%mul3A_2, %dma_start3A] : memref<10240x128xf32, #tpu.memory_space<vmem_shared>> -> memref<640x128xf32, #tpu.memory_space<vmem_shared>>
      tpu.enqueue_dma source(%arg5 : memref<640x128xf32, #tpu.memory_space<hbm>>) target(%dma_start3A_13 : memref<640x128xf32, #tpu.memory_space<vmem_shared>>) target_semaphore(%run_scoped3A : memref<!tpu.dma_semaphore, #tpu.memory_space<semaphore_mem>>)
      %dma_wait3A = arith.constant 0 : i32
      %dma_wait3A_14 = tpu.memref_slice %arg10[%mul3A_2, %dma_wait3A] : memref<10240x128xf32, #tpu.memory_space<vmem_shared>> -> memref<640x128xf32, #tpu.memory_space<vmem_shared>>
      tpu.wait_dma2 semaphore(%run_scoped3A : memref<!tpu.dma_semaphore, #tpu.memory_space<semaphore_mem>>) src(%arg5 : memref<640x128xf32, #tpu.memory_space<hbm>>) dst(%dma_wait3A_14 : memref<640x128xf32, #tpu.memory_space<vmem_shared>>)
      tpu.yield
    }) : () -> ()
    %barrier3A = arith.constant 0 : index
    tpu.barrier barrier_id(%barrier3A)
    %scan3A = arith.constant 0 : i32
    %scan3A_3 = arith.constant 0 : i32
    %scan3A_4 = arith.constant 80 : i32
    %scan3A_5 = arith.addi %scan3A_3, %scan3A_4 : i32
    %scan3A_6 = arith.constant 1 : i32
    scf.for %scan3A_13 = %scan3A_3 to %scan3A_5 step %scan3A_6  : i32 {
      %dma_start3A = arith.constant 0 : i32
      %dma_start3A_14 = tpu.memref_slice %arg7[%scan3A_13, %dma_start3A] : memref<80x128xi32, #tpu.memory_space<vmem>> -> memref<1x128xi32, #tpu.memory_space<vmem>>
      %dma_start3A_15 = tpu.memref_squeeze %dma_start3A_14 : memref<1x128xi32, #tpu.memory_space<vmem>> -> memref<128xi32, #tpu.memory_space<vmem>>
      %dma_start3A_16 = arith.constant 0 : i32
      %dma_start3A_17 = arith.constant 0 : i32
      %dma_start3A_18 = tpu.memref_slice %arg2[%dma_start3A_16, %dma_start3A_17] : memref<10240x128xf32, #tpu.memory_space<hbm>> -> memref<10240x128xf32, #tpu.memory_space<hbm>>
      tpu.enqueue_indirect_dma source(%dma_start3A_18 : memref<10240x128xf32, #tpu.memory_space<hbm>>) target(%arg9 : memref<128x128xf32, #tpu.memory_space<vmem>>) offsets(%dma_start3A_15 : memref<128xi32, #tpu.memory_space<vmem>>) semaphore(%arg11 : memref<!tpu.dma_semaphore, #tpu.memory_space<semaphore_mem>>)
      %dma_wait3A = arith.constant 0 : i32
      %dma_wait3A_19 = tpu.memref_slice %arg7[%scan3A_13, %dma_wait3A] : memref<80x128xi32, #tpu.memory_space<vmem>> -> memref<1x128xi32, #tpu.memory_space<vmem>>
      %dma_wait3A_20 = tpu.memref_squeeze %dma_wait3A_19 : memref<1x128xi32, #tpu.memory_space<vmem>> -> memref<128xi32, #tpu.memory_space<vmem>>
      %dma_wait3A_21 = arith.constant 0 : i32
      %dma_wait3A_22 = arith.constant 0 : i32
      %dma_wait3A_23 = tpu.memref_slice %arg2[%dma_wait3A_21, %dma_wait3A_22] : memref<10240x128xf32, #tpu.memory_space<hbm>> -> memref<10240x128xf32, #tpu.memory_space<hbm>>
      tpu.wait_indirect_dma semaphore(%arg11 : memref<!tpu.dma_semaphore, #tpu.memory_space<semaphore_mem>>) src(%dma_wait3A_23 : memref<10240x128xf32, #tpu.memory_space<hbm>>) dst(%arg9 : memref<128x128xf32, #tpu.memory_space<vmem>>)
      "tpu.region"() ({
        %run_scoped3A = tpu.sem_alloc : memref<!tpu.dma_semaphore, #tpu.memory_space<semaphore_mem>>
        %dma_start3A_24 = arith.constant 0 : i32
        %dma_start3A_25 = tpu.memref_slice %arg8[%scan3A_13, %dma_start3A_24] : memref<80x128xi32, #tpu.memory_space<vmem>> -> memref<1x128xi32, #tpu.memory_space<vmem>>
        %dma_start3A_26 = tpu.memref_squeeze %dma_start3A_25 : memref<1x128xi32, #tpu.memory_space<vmem>> -> memref<128xi32, #tpu.memory_space<vmem>>
        %dma_start3A_27 = arith.constant 0 : i32
        %dma_start3A_28 = arith.constant 0 : i32
        %dma_start3A_29 = tpu.memref_slice %arg10[%dma_start3A_27, %dma_start3A_28] : memref<10240x128xf32, #tpu.memory_space<vmem_shared>> -> memref<10240x128xf32, #tpu.memory_space<vmem_shared>>
        tpu.enqueue_indirect_dma source(%arg9 : memref<128x128xf32, #tpu.memory_space<vmem>>) target(%dma_start3A_29 : memref<10240x128xf32, #tpu.memory_space<vmem_shared>>) offsets(%dma_start3A_26 : memref<128xi32, #tpu.memory_space<vmem>>) semaphore(%run_scoped3A : memref<!tpu.dma_semaphore, #tpu.memory_space<semaphore_mem>>) {add = true}
        %dma_wait3A_30 = arith.constant 0 : i32
        %dma_wait3A_31 = tpu.memref_slice %arg8[%scan3A_13, %dma_wait3A_30] : memref<80x128xi32, #tpu.memory_space<vmem>> -> memref<1x128xi32, #tpu.memory_space<vmem>>
        %dma_wait3A_32 = tpu.memref_squeeze %dma_wait3A_31 : memref<1x128xi32, #tpu.memory_space<vmem>> -> memref<128xi32, #tpu.memory_space<vmem>>
        %dma_wait3A_33 = arith.constant 0 : i32
        %dma_wait3A_34 = arith.constant 0 : i32
        %dma_wait3A_35 = tpu.memref_slice %arg10[%dma_wait3A_33, %dma_wait3A_34] : memref<10240x128xf32, #tpu.memory_space<vmem_shared>> -> memref<10240x128xf32, #tpu.memory_space<vmem_shared>>
        tpu.wait_indirect_dma semaphore(%run_scoped3A : memref<!tpu.dma_semaphore, #tpu.memory_space<semaphore_mem>>) src(%arg9 : memref<128x128xf32, #tpu.memory_space<vmem>>) dst(%dma_wait3A_35 : memref<10240x128xf32, #tpu.memory_space<vmem_shared>>)
        tpu.yield
      }) : () -> ()
    }
    %scan3A_7 = arith.constant 80 : i32
    %barrier3A_8 = arith.constant 0 : index
    tpu.barrier barrier_id(%barrier3A_8)
    %mul3A_9 = arith.constant 640 : i32
    %mul3A_10 = arith.muli %arg1, %mul3A_9 : i32
    %mul3A_11 = arith.constant 640 : i32
    %mul3A_12 = arith.muli %arg1, %mul3A_11 : i32
    "tpu.region"() ({
      %run_scoped3A = tpu.sem_alloc : memref<!tpu.dma_semaphore, #tpu.memory_space<semaphore_mem>>
      %dma_start3A = arith.constant 0 : i32
      %dma_start3A_13 = tpu.memref_slice %arg6[%arg0, %mul3A_12, %dma_start3A] : memref<2x10240x128xf32, #tpu.memory_space<hbm>> -> memref<1x640x128xf32, #tpu.memory_space<hbm>>
      %dma_start3A_14 = tpu.memref_squeeze %dma_start3A_13 : memref<1x640x128xf32, #tpu.memory_space<hbm>> -> memref<640x128xf32, #tpu.memory_space<hbm>>
      %dma_start3A_15 = arith.constant 0 : i32
      %dma_start3A_16 = tpu.memref_slice %arg10[%mul3A_10, %dma_start3A_15] : memref<10240x128xf32, #tpu.memory_space<vmem_shared>> -> memref<640x128xf32, #tpu.memory_space<vmem_shared>>
      tpu.enqueue_dma source(%dma_start3A_16 : memref<640x128xf32, #tpu.memory_space<vmem_shared>>) target(%dma_start3A_14 : memref<640x128xf32, #tpu.memory_space<hbm>>) target_semaphore(%run_scoped3A : memref<!tpu.dma_semaphore, #tpu.memory_space<semaphore_mem>>)
      %dma_wait3A = arith.constant 0 : i32
      %dma_wait3A_17 = tpu.memref_slice %arg6[%arg0, %mul3A_12, %dma_wait3A] : memref<2x10240x128xf32, #tpu.memory_space<hbm>> -> memref<1x640x128xf32, #tpu.memory_space<hbm>>
      %dma_wait3A_18 = tpu.memref_squeeze %dma_wait3A_17 : memref<1x640x128xf32, #tpu.memory_space<hbm>> -> memref<640x128xf32, #tpu.memory_space<hbm>>
      %dma_wait3A_19 = arith.constant 0 : i32
      %dma_wait3A_20 = tpu.memref_slice %arg10[%mul3A_10, %dma_wait3A_19] : memref<10240x128xf32, #tpu.memory_space<vmem_shared>> -> memref<640x128xf32, #tpu.memory_space<vmem_shared>>
      tpu.wait_dma2 semaphore(%run_scoped3A : memref<!tpu.dma_semaphore, #tpu.memory_space<semaphore_mem>>) src(%dma_wait3A_20 : memref<640x128xf32, #tpu.memory_space<vmem_shared>>) dst(%dma_wait3A_18 : memref<640x128xf32, #tpu.memory_space<hbm>>)
      tpu.yield
    }) : () -> ()
    return
  }
}

#map = affine_map<(d0, d1) -> (0, 0)>
#map1 = affine_map<(d0, d1) -> (0, 0, 0)>
module attributes {stable_mosaic.version = 14 : i64} {
  func.func @_sc_gather_scatter(%arg0: i32, %arg1: i32, %arg2: memref<10240x128xf32, #tpu.memory_space<hbm>>, %arg3: memref<32x80x128xi32, #tpu.memory_space<hbm>>, %arg4: memref<32x80x128xi32, #tpu.memory_space<hbm>>, %arg5: memref<640x128xf32, #tpu.memory_space<hbm>>, %arg6: memref<2x10240x128xf32, #tpu.memory_space<hbm>>, %arg7: memref<80x128xi32, #tpu.memory_space<vmem>>, %arg8: memref<80x128xi32, #tpu.memory_space<vmem>>, %arg9: memref<128x128xf32, #tpu.memory_space<vmem>>, %arg10: memref<10240x128xf32, #tpu.memory_space<vmem_shared>>, %arg11: memref<!tpu.dma_semaphore, #tpu.memory_space<semaphore_mem>>) attributes {dimension_semantics = [#tpu.dimension_semantics<core_parallel>, #tpu.dimension_semantics<subcore_parallel>], iteration_bounds = array<i64: 2, 16>, scalar_prefetch = 0 : i64, scratch_operands = 5 : i64, tpu.core_type = #tpu.core_type<sc_vector_subcore>, window_params = [{transform_indices = #map}, {transform_indices = #map1}, {transform_indices = #map1}, {transform_indices = #map}, {transform_indices = #map1}]} {
    %mul3A = arith.constant 2 : i32
    %mul3A_0 = arith.muli %arg1, %mul3A : i32
    %add3A = arith.addi %mul3A_0, %arg0 : i32
    "tpu.region"() ({
      %run_scoped3A = tpu.sem_alloc : memref<!tpu.dma_semaphore, #tpu.memory_space<semaphore_mem>>
      %dma_start3A = arith.constant 0 : i32
      %dma_start3A_13 = arith.constant 0 : i32
      %dma_start3A_14 = tpu.memref_slice %arg3[%add3A, %dma_start3A, %dma_start3A_13] : memref<32x80x128xi32, #tpu.memory_space<hbm>> -> memref<1x80x128xi32, #tpu.memory_space<hbm>>
      %dma_start3A_15 = tpu.memref_squeeze %dma_start3A_14 : memref<1x80x128xi32, #tpu.memory_space<hbm>> -> memref<80x128xi32, #tpu.memory_space<hbm>>
      %dma_start3A_16 = arith.constant 0 : i32
      %dma_start3A_17 = arith.constant 0 : i32
      %dma_start3A_18 = tpu.memref_slice %arg3[%add3A, %dma_start3A_16, %dma_start3A_17] : memref<32x80x128xi32, #tpu.memory_space<hbm>> -> memref<1x80x128xi32, #tpu.memory_space<hbm>>
      %dma_start3A_19 = tpu.memref_squeeze %dma_start3A_18 : memref<1x80x128xi32, #tpu.memory_space<hbm>> -> memref<80x128xi32, #tpu.memory_space<hbm>>
      tpu.enqueue_dma source(%dma_start3A_19 : memref<80x128xi32, #tpu.memory_space<hbm>>) target(%arg7 : memref<80x128xi32, #tpu.memory_space<vmem>>) target_semaphore(%run_scoped3A : memref<!tpu.dma_semaphore, #tpu.memory_space<semaphore_mem>>)
      %dma_wait3A = arith.constant 0 : i32
      %dma_wait3A_20 = arith.constant 0 : i32
      %dma_wait3A_21 = tpu.memref_slice %arg3[%add3A, %dma_wait3A, %dma_wait3A_20] : memref<32x80x128xi32, #tpu.memory_space<hbm>> -> memref<1x80x128xi32, #tpu.memory_space<hbm>>
      %dma_wait3A_22 = tpu.memref_squeeze %dma_wait3A_21 : memref<1x80x128xi32, #tpu.memory_space<hbm>> -> memref<80x128xi32, #tpu.memory_space<hbm>>
      %dma_wait3A_23 = arith.constant 0 : i32
      %dma_wait3A_24 = arith.constant 0 : i32
      %dma_wait3A_25 = tpu.memref_slice %arg3[%add3A, %dma_wait3A_23, %dma_wait3A_24] : memref<32x80x128xi32, #tpu.memory_space<hbm>> -> memref<1x80x128xi32, #tpu.memory_space<hbm>>
      %dma_wait3A_26 = tpu.memref_squeeze %dma_wait3A_25 : memref<1x80x128xi32, #tpu.memory_space<hbm>> -> memref<80x128xi32, #tpu.memory_space<hbm>>
      tpu.wait_dma2 semaphore(%run_scoped3A : memref<!tpu.dma_semaphore, #tpu.memory_space<semaphore_mem>>) src(%dma_wait3A_26 : memref<80x128xi32, #tpu.memory_space<hbm>>) dst(%arg7 : memref<80x128xi32, #tpu.memory_space<vmem>>)
      tpu.yield
    }) : () -> ()
    "tpu.region"() ({
      %run_scoped3A = tpu.sem_alloc : memref<!tpu.dma_semaphore, #tpu.memory_space<semaphore_mem>>
      %dma_start3A = arith.constant 0 : i32
      %dma_start3A_13 = arith.constant 0 : i32
      %dma_start3A_14 = tpu.memref_slice %arg4[%add3A, %dma_start3A, %dma_start3A_13] : memref<32x80x128xi32, #tpu.memory_space<hbm>> -> memref<1x80x128xi32, #tpu.memory_space<hbm>>
      %dma_start3A_15 = tpu.memref_squeeze %dma_start3A_14 : memref<1x80x128xi32, #tpu.memory_space<hbm>> -> memref<80x128xi32, #tpu.memory_space<hbm>>
      %dma_start3A_16 = arith.constant 0 : i32
      %dma_start3A_17 = arith.constant 0 : i32
      %dma_start3A_18 = tpu.memref_slice %arg4[%add3A, %dma_start3A_16, %dma_start3A_17] : memref<32x80x128xi32, #tpu.memory_space<hbm>> -> memref<1x80x128xi32, #tpu.memory_space<hbm>>
      %dma_start3A_19 = tpu.memref_squeeze %dma_start3A_18 : memref<1x80x128xi32, #tpu.memory_space<hbm>> -> memref<80x128xi32, #tpu.memory_space<hbm>>
      tpu.enqueue_dma source(%dma_start3A_19 : memref<80x128xi32, #tpu.memory_space<hbm>>) target(%arg8 : memref<80x128xi32, #tpu.memory_space<vmem>>) target_semaphore(%run_scoped3A : memref<!tpu.dma_semaphore, #tpu.memory_space<semaphore_mem>>)
      %dma_wait3A = arith.constant 0 : i32
      %dma_wait3A_20 = arith.constant 0 : i32
      %dma_wait3A_21 = tpu.memref_slice %arg4[%add3A, %dma_wait3A, %dma_wait3A_20] : memref<32x80x128xi32, #tpu.memory_space<hbm>> -> memref<1x80x128xi32, #tpu.memory_space<hbm>>
      %dma_wait3A_22 = tpu.memref_squeeze %dma_wait3A_21 : memref<1x80x128xi32, #tpu.memory_space<hbm>> -> memref<80x128xi32, #tpu.memory_space<hbm>>
      %dma_wait3A_23 = arith.constant 0 : i32
      %dma_wait3A_24 = arith.constant 0 : i32
      %dma_wait3A_25 = tpu.memref_slice %arg4[%add3A, %dma_wait3A_23, %dma_wait3A_24] : memref<32x80x128xi32, #tpu.memory_space<hbm>> -> memref<1x80x128xi32, #tpu.memory_space<hbm>>
      %dma_wait3A_26 = tpu.memref_squeeze %dma_wait3A_25 : memref<1x80x128xi32, #tpu.memory_space<hbm>> -> memref<80x128xi32, #tpu.memory_space<hbm>>
      tpu.wait_dma2 semaphore(%run_scoped3A : memref<!tpu.dma_semaphore, #tpu.memory_space<semaphore_mem>>) src(%dma_wait3A_26 : memref<80x128xi32, #tpu.memory_space<hbm>>) dst(%arg8 : memref<80x128xi32, #tpu.memory_space<vmem>>)
      tpu.yield
    }) : () -> ()
    %mul3A_1 = arith.constant 640 : i32
    %mul3A_2 = arith.muli %arg1, %mul3A_1 : i32
    "tpu.region"() ({
      %run_scoped3A = tpu.sem_alloc : memref<!tpu.dma_semaphore, #tpu.memory_space<semaphore_mem>>
      %dma_start3A = arith.constant 0 : i32
      %dma_start3A_13 = tpu.memref_slice %arg10[%mul3A_2, %dma_start3A] : memref<10240x128xf32, #tpu.memory_space<vmem_shared>> -> memref<640x128xf32, #tpu.memory_space<vmem_shared>>
      tpu.enqueue_dma source(%arg5 : memref<640x128xf32, #tpu.memory_space<hbm>>) target(%dma_start3A_13 : memref<640x128xf32, #tpu.memory_space<vmem_shared>>) target_semaphore(%run_scoped3A : memref<!tpu.dma_semaphore, #tpu.memory_space<semaphore_mem>>)
      %dma_wait3A = arith.constant 0 : i32
      %dma_wait3A_14 = tpu.memref_slice %arg10[%mul3A_2, %dma_wait3A] : memref<10240x128xf32, #tpu.memory_space<vmem_shared>> -> memref<640x128xf32, #tpu.memory_space<vmem_shared>>
      tpu.wait_dma2 semaphore(%run_scoped3A : memref<!tpu.dma_semaphore, #tpu.memory_space<semaphore_mem>>) src(%arg5 : memref<640x128xf32, #tpu.memory_space<hbm>>) dst(%dma_wait3A_14 : memref<640x128xf32, #tpu.memory_space<vmem_shared>>)
      tpu.yield
    }) : () -> ()
    %barrier3A = arith.constant 0 : index
    tpu.barrier barrier_id(%barrier3A)
    %scan3A = arith.constant 0 : i32
    %scan3A_3 = arith.constant 0 : i32
    %scan3A_4 = arith.constant 80 : i32
    %scan3A_5 = arith.addi %scan3A_3, %scan3A_4 : i32
    %scan3A_6 = arith.constant 1 : i32
    scf.for %scan3A_13 = %scan3A_3 to %scan3A_5 step %scan3A_6  : i32 {
      %dma_start3A = arith.constant 0 : i32
      %dma_start3A_14 = tpu.memref_slice %arg7[%scan3A_13, %dma_start3A] : memref<80x128xi32, #tpu.memory_space<vmem>> -> memref<1x128xi32, #tpu.memory_space<vmem>>
      %dma_start3A_15 = tpu.memref_squeeze %dma_start3A_14 : memref<1x128xi32, #tpu.memory_space<vmem>> -> memref<128xi32, #tpu.memory_space<vmem>>
      %dma_start3A_16 = arith.constant 0 : i32
      %dma_start3A_17 = arith.constant 0 : i32
      %dma_start3A_18 = tpu.memref_slice %arg2[%dma_start3A_16, %dma_start3A_17] : memref<10240x128xf32, #tpu.memory_space<hbm>> -> memref<10240x128xf32, #tpu.memory_space<hbm>>
      tpu.enqueue_indirect_dma source(%dma_start3A_18 : memref<10240x128xf32, #tpu.memory_space<hbm>>) target(%arg9 : memref<128x128xf32, #tpu.memory_space<vmem>>) offsets(%dma_start3A_15 : memref<128xi32, #tpu.memory_space<vmem>>) semaphore(%arg11 : memref<!tpu.dma_semaphore, #tpu.memory_space<semaphore_mem>>)
      %dma_wait3A = arith.constant 0 : i32
      %dma_wait3A_19 = tpu.memref_slice %arg7[%scan3A_13, %dma_wait3A] : memref<80x128xi32, #tpu.memory_space<vmem>> -> memref<1x128xi32, #tpu.memory_space<vmem>>
      %dma_wait3A_20 = tpu.memref_squeeze %dma_wait3A_19 : memref<1x128xi32, #tpu.memory_space<vmem>> -> memref<128xi32, #tpu.memory_space<vmem>>
      %dma_wait3A_21 = arith.constant 0 : i32
      %dma_wait3A_22 = arith.constant 0 : i32
      %dma_wait3A_23 = tpu.memref_slice %arg2[%dma_wait3A_21, %dma_wait3A_22] : memref<10240x128xf32, #tpu.memory_space<hbm>> -> memref<10240x128xf32, #tpu.memory_space<hbm>>
      tpu.wait_indirect_dma semaphore(%arg11 : memref<!tpu.dma_semaphore, #tpu.memory_space<semaphore_mem>>) src(%dma_wait3A_23 : memref<10240x128xf32, #tpu.memory_space<hbm>>) dst(%arg9 : memref<128x128xf32, #tpu.memory_space<vmem>>)
      "tpu.region"() ({
        %run_scoped3A = tpu.sem_alloc : memref<!tpu.dma_semaphore, #tpu.memory_space<semaphore_mem>>
        %dma_start3A_24 = arith.constant 0 : i32
        %dma_start3A_25 = tpu.memref_slice %arg8[%scan3A_13, %dma_start3A_24] : memref<80x128xi32, #tpu.memory_space<vmem>> -> memref<1x128xi32, #tpu.memory_space<vmem>>
        %dma_start3A_26 = tpu.memref_squeeze %dma_start3A_25 : memref<1x128xi32, #tpu.memory_space<vmem>> -> memref<128xi32, #tpu.memory_space<vmem>>
        %dma_start3A_27 = arith.constant 0 : i32
        %dma_start3A_28 = arith.constant 0 : i32
        %dma_start3A_29 = tpu.memref_slice %arg10[%dma_start3A_27, %dma_start3A_28] : memref<10240x128xf32, #tpu.memory_space<vmem_shared>> -> memref<10240x128xf32, #tpu.memory_space<vmem_shared>>
        tpu.enqueue_indirect_dma source(%arg9 : memref<128x128xf32, #tpu.memory_space<vmem>>) target(%dma_start3A_29 : memref<10240x128xf32, #tpu.memory_space<vmem_shared>>) offsets(%dma_start3A_26 : memref<128xi32, #tpu.memory_space<vmem>>) semaphore(%run_scoped3A : memref<!tpu.dma_semaphore, #tpu.memory_space<semaphore_mem>>) {add = true}
        %dma_wait3A_30 = arith.constant 0 : i32
        %dma_wait3A_31 = tpu.memref_slice %arg8[%scan3A_13, %dma_wait3A_30] : memref<80x128xi32, #tpu.memory_space<vmem>> -> memref<1x128xi32, #tpu.memory_space<vmem>>
        %dma_wait3A_32 = tpu.memref_squeeze %dma_wait3A_31 : memref<1x128xi32, #tpu.memory_space<vmem>> -> memref<128xi32, #tpu.memory_space<vmem>>
        %dma_wait3A_33 = arith.constant 0 : i32
        %dma_wait3A_34 = arith.constant 0 : i32
        %dma_wait3A_35 = tpu.memref_slice %arg10[%dma_wait3A_33, %dma_wait3A_34] : memref<10240x128xf32, #tpu.memory_space<vmem_shared>> -> memref<10240x128xf32, #tpu.memory_space<vmem_shared>>
        tpu.wait_indirect_dma semaphore(%run_scoped3A : memref<!tpu.dma_semaphore, #tpu.memory_space<semaphore_mem>>) src(%arg9 : memref<128x128xf32, #tpu.memory_space<vmem>>) dst(%dma_wait3A_35 : memref<10240x128xf32, #tpu.memory_space<vmem_shared>>)
        tpu.yield
      }) : () -> ()
    }
    %scan3A_7 = arith.constant 80 : i32
    %barrier3A_8 = arith.constant 0 : index
    tpu.barrier barrier_id(%barrier3A_8)
    %mul3A_9 = arith.constant 640 : i32
    %mul3A_10 = arith.muli %arg1, %mul3A_9 : i32
    %mul3A_11 = arith.constant 640 : i32
    %mul3A_12 = arith.muli %arg1, %mul3A_11 : i32
    "tpu.region"() ({
      %run_scoped3A = tpu.sem_alloc : memref<!tpu.dma_semaphore, #tpu.memory_space<semaphore_mem>>
      %dma_start3A = arith.constant 0 : i32
      %dma_start3A_13 = tpu.memref_slice %arg6[%arg0, %mul3A_12, %dma_start3A] : memref<2x10240x128xf32, #tpu.memory_space<hbm>> -> memref<1x640x128xf32, #tpu.memory_space<hbm>>
      %dma_start3A_14 = tpu.memref_squeeze %dma_start3A_13 : memref<1x640x128xf32, #tpu.memory_space<hbm>> -> memref<640x128xf32, #tpu.memory_space<hbm>>
      %dma_start3A_15 = arith.constant 0 : i32
      %dma_start3A_16 = tpu.memref_slice %arg10[%mul3A_10, %dma_start3A_15] : memref<10240x128xf32, #tpu.memory_space<vmem_shared>> -> memref<640x128xf32, #tpu.memory_space<vmem_shared>>
      tpu.enqueue_dma source(%dma_start3A_16 : memref<640x128xf32, #tpu.memory_space<vmem_shared>>) target(%dma_start3A_14 : memref<640x128xf32, #tpu.memory_space<hbm>>) target_semaphore(%run_scoped3A : memref<!tpu.dma_semaphore, #tpu.memory_space<semaphore_mem>>)
      %dma_wait3A = arith.constant 0 : i32
      %dma_wait3A_17 = tpu.memref_slice %arg6[%arg0, %mul3A_12, %dma_wait3A] : memref<2x10240x128xf32, #tpu.memory_space<hbm>> -> memref<1x640x128xf32, #tpu.memory_space<hbm>>
      %dma_wait3A_18 = tpu.memref_squeeze %dma_wait3A_17 : memref<1x640x128xf32, #tpu.memory_space<hbm>> -> memref<640x128xf32, #tpu.memory_space<hbm>>
      %dma_wait3A_19 = arith.constant 0 : i32
      %dma_wait3A_20 = tpu.memref_slice %arg10[%mul3A_10, %dma_wait3A_19] : memref<10240x128xf32, #tpu.memory_space<vmem_shared>> -> memref<640x128xf32, #tpu.memory_space<vmem_shared>>
      tpu.wait_dma2 semaphore(%run_scoped3A : memref<!tpu.dma_semaphore, #tpu.memory_space<semaphore_mem>>) src(%dma_wait3A_20 : memref<640x128xf32, #tpu.memory_space<vmem_shared>>) dst(%dma_wait3A_18 : memref<640x128xf32, #tpu.memory_space<hbm>>)
      tpu.yield
    }) : () -> ()
    return
  }
}

#map = affine_map<(d0, d1) -> (0, 0)>
#map1 = affine_map<(d0, d1) -> (0, 0, 0)>
module attributes {stable_mosaic.version = 14 : i64} {
  func.func @_sc_gather_scatter(%arg0: i32, %arg1: i32, %arg2: memref<10240x128xf32, #tpu.memory_space<hbm>>, %arg3: memref<32x80x128xi32, #tpu.memory_space<hbm>>, %arg4: memref<32x80x128xi32, #tpu.memory_space<hbm>>, %arg5: memref<640x128xf32, #tpu.memory_space<hbm>>, %arg6: memref<2x10240x128xf32, #tpu.memory_space<hbm>>, %arg7: memref<80x128xi32, #tpu.memory_space<vmem>>, %arg8: memref<80x128xi32, #tpu.memory_space<vmem>>, %arg9: memref<128x128xf32, #tpu.memory_space<vmem>>, %arg10: memref<10240x128xf32, #tpu.memory_space<vmem_shared>>, %arg11: memref<!tpu.dma_semaphore, #tpu.memory_space<semaphore_mem>>) attributes {dimension_semantics = [#tpu.dimension_semantics<core_parallel>, #tpu.dimension_semantics<subcore_parallel>], iteration_bounds = array<i64: 2, 16>, scalar_prefetch = 0 : i64, scratch_operands = 5 : i64, tpu.core_type = #tpu.core_type<sc_vector_subcore>, window_params = [{transform_indices = #map}, {transform_indices = #map1}, {transform_indices = #map1}, {transform_indices = #map}, {transform_indices = #map1}]} {
    %mul3A = arith.constant 2 : i32
    %mul3A_0 = arith.muli %arg1, %mul3A : i32
    %add3A = arith.addi %mul3A_0, %arg0 : i32
    "tpu.region"() ({
      %run_scoped3A = tpu.sem_alloc : memref<!tpu.dma_semaphore, #tpu.memory_space<semaphore_mem>>
      %dma_start3A = arith.constant 0 : i32
      %dma_start3A_13 = arith.constant 0 : i32
      %dma_start3A_14 = tpu.memref_slice %arg3[%add3A, %dma_start3A, %dma_start3A_13] : memref<32x80x128xi32, #tpu.memory_space<hbm>> -> memref<1x80x128xi32, #tpu.memory_space<hbm>>
      %dma_start3A_15 = tpu.memref_squeeze %dma_start3A_14 : memref<1x80x128xi32, #tpu.memory_space<hbm>> -> memref<80x128xi32, #tpu.memory_space<hbm>>
      %dma_start3A_16 = arith.constant 0 : i32
      %dma_start3A_17 = arith.constant 0 : i32
      %dma_start3A_18 = tpu.memref_slice %arg3[%add3A, %dma_start3A_16, %dma_start3A_17] : memref<32x80x128xi32, #tpu.memory_space<hbm>> -> memref<1x80x128xi32, #tpu.memory_space<hbm>>
      %dma_start3A_19 = tpu.memref_squeeze %dma_start3A_18 : memref<1x80x128xi32, #tpu.memory_space<hbm>> -> memref<80x128xi32, #tpu.memory_space<hbm>>
      tpu.enqueue_dma source(%dma_start3A_19 : memref<80x128xi32, #tpu.memory_space<hbm>>) target(%arg7 : memref<80x128xi32, #tpu.memory_space<vmem>>) target_semaphore(%run_scoped3A : memref<!tpu.dma_semaphore, #tpu.memory_space<semaphore_mem>>)
      %dma_wait3A = arith.constant 0 : i32
      %dma_wait3A_20 = arith.constant 0 : i32
      %dma_wait3A_21 = tpu.memref_slice %arg3[%add3A, %dma_wait3A, %dma_wait3A_20] : memref<32x80x128xi32, #tpu.memory_space<hbm>> -> memref<1x80x128xi32, #tpu.memory_space<hbm>>
      %dma_wait3A_22 = tpu.memref_squeeze %dma_wait3A_21 : memref<1x80x128xi32, #tpu.memory_space<hbm>> -> memref<80x128xi32, #tpu.memory_space<hbm>>
      %dma_wait3A_23 = arith.constant 0 : i32
      %dma_wait3A_24 = arith.constant 0 : i32
      %dma_wait3A_25 = tpu.memref_slice %arg3[%add3A, %dma_wait3A_23, %dma_wait3A_24] : memref<32x80x128xi32, #tpu.memory_space<hbm>> -> memref<1x80x128xi32, #tpu.memory_space<hbm>>
      %dma_wait3A_26 = tpu.memref_squeeze %dma_wait3A_25 : memref<1x80x128xi32, #tpu.memory_space<hbm>> -> memref<80x128xi32, #tpu.memory_space<hbm>>
      tpu.wait_dma2 semaphore(%run_scoped3A : memref<!tpu.dma_semaphore, #tpu.memory_space<semaphore_mem>>) src(%dma_wait3A_26 : memref<80x128xi32, #tpu.memory_space<hbm>>) dst(%arg7 : memref<80x128xi32, #tpu.memory_space<vmem>>)
      tpu.yield
    }) : () -> ()
    "tpu.region"() ({
      %run_scoped3A = tpu.sem_alloc : memref<!tpu.dma_semaphore, #tpu.memory_space<semaphore_mem>>
      %dma_start3A = arith.constant 0 : i32
      %dma_start3A_13 = arith.constant 0 : i32
      %dma_start3A_14 = tpu.memref_slice %arg4[%add3A, %dma_start3A, %dma_start3A_13] : memref<32x80x128xi32, #tpu.memory_space<hbm>> -> memref<1x80x128xi32, #tpu.memory_space<hbm>>
      %dma_start3A_15 = tpu.memref_squeeze %dma_start3A_14 : memref<1x80x128xi32, #tpu.memory_space<hbm>> -> memref<80x128xi32, #tpu.memory_space<hbm>>
      %dma_start3A_16 = arith.constant 0 : i32
      %dma_start3A_17 = arith.constant 0 : i32
      %dma_start3A_18 = tpu.memref_slice %arg4[%add3A, %dma_start3A_16, %dma_start3A_17] : memref<32x80x128xi32, #tpu.memory_space<hbm>> -> memref<1x80x128xi32, #tpu.memory_space<hbm>>
      %dma_start3A_19 = tpu.memref_squeeze %dma_start3A_18 : memref<1x80x128xi32, #tpu.memory_space<hbm>> -> memref<80x128xi32, #tpu.memory_space<hbm>>
      tpu.enqueue_dma source(%dma_start3A_19 : memref<80x128xi32, #tpu.memory_space<hbm>>) target(%arg8 : memref<80x128xi32, #tpu.memory_space<vmem>>) target_semaphore(%run_scoped3A : memref<!tpu.dma_semaphore, #tpu.memory_space<semaphore_mem>>)
      %dma_wait3A = arith.constant 0 : i32
      %dma_wait3A_20 = arith.constant 0 : i32
      %dma_wait3A_21 = tpu.memref_slice %arg4[%add3A, %dma_wait3A, %dma_wait3A_20] : memref<32x80x128xi32, #tpu.memory_space<hbm>> -> memref<1x80x128xi32, #tpu.memory_space<hbm>>
      %dma_wait3A_22 = tpu.memref_squeeze %dma_wait3A_21 : memref<1x80x128xi32, #tpu.memory_space<hbm>> -> memref<80x128xi32, #tpu.memory_space<hbm>>
      %dma_wait3A_23 = arith.constant 0 : i32
      %dma_wait3A_24 = arith.constant 0 : i32
      %dma_wait3A_25 = tpu.memref_slice %arg4[%add3A, %dma_wait3A_23, %dma_wait3A_24] : memref<32x80x128xi32, #tpu.memory_space<hbm>> -> memref<1x80x128xi32, #tpu.memory_space<hbm>>
      %dma_wait3A_26 = tpu.memref_squeeze %dma_wait3A_25 : memref<1x80x128xi32, #tpu.memory_space<hbm>> -> memref<80x128xi32, #tpu.memory_space<hbm>>
      tpu.wait_dma2 semaphore(%run_scoped3A : memref<!tpu.dma_semaphore, #tpu.memory_space<semaphore_mem>>) src(%dma_wait3A_26 : memref<80x128xi32, #tpu.memory_space<hbm>>) dst(%arg8 : memref<80x128xi32, #tpu.memory_space<vmem>>)
      tpu.yield
    }) : () -> ()
    %mul3A_1 = arith.constant 640 : i32
    %mul3A_2 = arith.muli %arg1, %mul3A_1 : i32
    "tpu.region"() ({
      %run_scoped3A = tpu.sem_alloc : memref<!tpu.dma_semaphore, #tpu.memory_space<semaphore_mem>>
      %dma_start3A = arith.constant 0 : i32
      %dma_start3A_13 = tpu.memref_slice %arg10[%mul3A_2, %dma_start3A] : memref<10240x128xf32, #tpu.memory_space<vmem_shared>> -> memref<640x128xf32, #tpu.memory_space<vmem_shared>>
      tpu.enqueue_dma source(%arg5 : memref<640x128xf32, #tpu.memory_space<hbm>>) target(%dma_start3A_13 : memref<640x128xf32, #tpu.memory_space<vmem_shared>>) target_semaphore(%run_scoped3A : memref<!tpu.dma_semaphore, #tpu.memory_space<semaphore_mem>>)
      %dma_wait3A = arith.constant 0 : i32
      %dma_wait3A_14 = tpu.memref_slice %arg10[%mul3A_2, %dma_wait3A] : memref<10240x128xf32, #tpu.memory_space<vmem_shared>> -> memref<640x128xf32, #tpu.memory_space<vmem_shared>>
      tpu.wait_dma2 semaphore(%run_scoped3A : memref<!tpu.dma_semaphore, #tpu.memory_space<semaphore_mem>>) src(%arg5 : memref<640x128xf32, #tpu.memory_space<hbm>>) dst(%dma_wait3A_14 : memref<640x128xf32, #tpu.memory_space<vmem_shared>>)
      tpu.yield
    }) : () -> ()
    %barrier3A = arith.constant 0 : index
    tpu.barrier barrier_id(%barrier3A)
    %scan3A = arith.constant 0 : i32
    %scan3A_3 = arith.constant 0 : i32
    %scan3A_4 = arith.constant 80 : i32
    %scan3A_5 = arith.addi %scan3A_3, %scan3A_4 : i32
    %scan3A_6 = arith.constant 1 : i32
    scf.for %scan3A_13 = %scan3A_3 to %scan3A_5 step %scan3A_6  : i32 {
      %dma_start3A = arith.constant 0 : i32
      %dma_start3A_14 = tpu.memref_slice %arg7[%scan3A_13, %dma_start3A] : memref<80x128xi32, #tpu.memory_space<vmem>> -> memref<1x128xi32, #tpu.memory_space<vmem>>
      %dma_start3A_15 = tpu.memref_squeeze %dma_start3A_14 : memref<1x128xi32, #tpu.memory_space<vmem>> -> memref<128xi32, #tpu.memory_space<vmem>>
      %dma_start3A_16 = arith.constant 0 : i32
      %dma_start3A_17 = arith.constant 0 : i32
      %dma_start3A_18 = tpu.memref_slice %arg2[%dma_start3A_16, %dma_start3A_17] : memref<10240x128xf32, #tpu.memory_space<hbm>> -> memref<10240x128xf32, #tpu.memory_space<hbm>>
      tpu.enqueue_indirect_dma source(%dma_start3A_18 : memref<10240x128xf32, #tpu.memory_space<hbm>>) target(%arg9 : memref<128x128xf32, #tpu.memory_space<vmem>>) offsets(%dma_start3A_15 : memref<128xi32, #tpu.memory_space<vmem>>) semaphore(%arg11 : memref<!tpu.dma_semaphore, #tpu.memory_space<semaphore_mem>>)
      %dma_wait3A = arith.constant 0 : i32
      %dma_wait3A_19 = tpu.memref_slice %arg7[%scan3A_13, %dma_wait3A] : memref<80x128xi32, #tpu.memory_space<vmem>> -> memref<1x128xi32, #tpu.memory_space<vmem>>
      %dma_wait3A_20 = tpu.memref_squeeze %dma_wait3A_19 : memref<1x128xi32, #tpu.memory_space<vmem>> -> memref<128xi32, #tpu.memory_space<vmem>>
      %dma_wait3A_21 = arith.constant 0 : i32
      %dma_wait3A_22 = arith.constant 0 : i32
      %dma_wait3A_23 = tpu.memref_slice %arg2[%dma_wait3A_21, %dma_wait3A_22] : memref<10240x128xf32, #tpu.memory_space<hbm>> -> memref<10240x128xf32, #tpu.memory_space<hbm>>
      tpu.wait_indirect_dma semaphore(%arg11 : memref<!tpu.dma_semaphore, #tpu.memory_space<semaphore_mem>>) src(%dma_wait3A_23 : memref<10240x128xf32, #tpu.memory_space<hbm>>) dst(%arg9 : memref<128x128xf32, #tpu.memory_space<vmem>>)
      "tpu.region"() ({
        %run_scoped3A = tpu.sem_alloc : memref<!tpu.dma_semaphore, #tpu.memory_space<semaphore_mem>>
        %dma_start3A_24 = arith.constant 0 : i32
        %dma_start3A_25 = tpu.memref_slice %arg8[%scan3A_13, %dma_start3A_24] : memref<80x128xi32, #tpu.memory_space<vmem>> -> memref<1x128xi32, #tpu.memory_space<vmem>>
        %dma_start3A_26 = tpu.memref_squeeze %dma_start3A_25 : memref<1x128xi32, #tpu.memory_space<vmem>> -> memref<128xi32, #tpu.memory_space<vmem>>
        %dma_start3A_27 = arith.constant 0 : i32
        %dma_start3A_28 = arith.constant 0 : i32
        %dma_start3A_29 = tpu.memref_slice %arg10[%dma_start3A_27, %dma_start3A_28] : memref<10240x128xf32, #tpu.memory_space<vmem_shared>> -> memref<10240x128xf32, #tpu.memory_space<vmem_shared>>
        tpu.enqueue_indirect_dma source(%arg9 : memref<128x128xf32, #tpu.memory_space<vmem>>) target(%dma_start3A_29 : memref<10240x128xf32, #tpu.memory_space<vmem_shared>>) offsets(%dma_start3A_26 : memref<128xi32, #tpu.memory_space<vmem>>) semaphore(%run_scoped3A : memref<!tpu.dma_semaphore, #tpu.memory_space<semaphore_mem>>) {add = true}
        %dma_wait3A_30 = arith.constant 0 : i32
        %dma_wait3A_31 = tpu.memref_slice %arg8[%scan3A_13, %dma_wait3A_30] : memref<80x128xi32, #tpu.memory_space<vmem>> -> memref<1x128xi32, #tpu.memory_space<vmem>>
        %dma_wait3A_32 = tpu.memref_squeeze %dma_wait3A_31 : memref<1x128xi32, #tpu.memory_space<vmem>> -> memref<128xi32, #tpu.memory_space<vmem>>
        %dma_wait3A_33 = arith.constant 0 : i32
        %dma_wait3A_34 = arith.constant 0 : i32
        %dma_wait3A_35 = tpu.memref_slice %arg10[%dma_wait3A_33, %dma_wait3A_34] : memref<10240x128xf32, #tpu.memory_space<vmem_shared>> -> memref<10240x128xf32, #tpu.memory_space<vmem_shared>>
        tpu.wait_indirect_dma semaphore(%run_scoped3A : memref<!tpu.dma_semaphore, #tpu.memory_space<semaphore_mem>>) src(%arg9 : memref<128x128xf32, #tpu.memory_space<vmem>>) dst(%dma_wait3A_35 : memref<10240x128xf32, #tpu.memory_space<vmem_shared>>)
        tpu.yield
      }) : () -> ()
    }
    %scan3A_7 = arith.constant 80 : i32
    %barrier3A_8 = arith.constant 0 : index
    tpu.barrier barrier_id(%barrier3A_8)
    %mul3A_9 = arith.constant 640 : i32
    %mul3A_10 = arith.muli %arg1, %mul3A_9 : i32
    %mul3A_11 = arith.constant 640 : i32
    %mul3A_12 = arith.muli %arg1, %mul3A_11 : i32
    "tpu.region"() ({
      %run_scoped3A = tpu.sem_alloc : memref<!tpu.dma_semaphore, #tpu.memory_space<semaphore_mem>>
      %dma_start3A = arith.constant 0 : i32
      %dma_start3A_13 = tpu.memref_slice %arg6[%arg0, %mul3A_12, %dma_start3A] : memref<2x10240x128xf32, #tpu.memory_space<hbm>> -> memref<1x640x128xf32, #tpu.memory_space<hbm>>
      %dma_start3A_14 = tpu.memref_squeeze %dma_start3A_13 : memref<1x640x128xf32, #tpu.memory_space<hbm>> -> memref<640x128xf32, #tpu.memory_space<hbm>>
      %dma_start3A_15 = arith.constant 0 : i32
      %dma_start3A_16 = tpu.memref_slice %arg10[%mul3A_10, %dma_start3A_15] : memref<10240x128xf32, #tpu.memory_space<vmem_shared>> -> memref<640x128xf32, #tpu.memory_space<vmem_shared>>
      tpu.enqueue_dma source(%dma_start3A_16 : memref<640x128xf32, #tpu.memory_space<vmem_shared>>) target(%dma_start3A_14 : memref<640x128xf32, #tpu.memory_space<hbm>>) target_semaphore(%run_scoped3A : memref<!tpu.dma_semaphore, #tpu.memory_space<semaphore_mem>>)
      %dma_wait3A = arith.constant 0 : i32
      %dma_wait3A_17 = tpu.memref_slice %arg6[%arg0, %mul3A_12, %dma_wait3A] : memref<2x10240x128xf32, #tpu.memory_space<hbm>> -> memref<1x640x128xf32, #tpu.memory_space<hbm>>
      %dma_wait3A_18 = tpu.memref_squeeze %dma_wait3A_17 : memref<1x640x128xf32, #tpu.memory_space<hbm>> -> memref<640x128xf32, #tpu.memory_space<hbm>>
      %dma_wait3A_19 = arith.constant 0 : i32
      %dma_wait3A_20 = tpu.memref_slice %arg10[%mul3A_10, %dma_wait3A_19] : memref<10240x128xf32, #tpu.memory_space<vmem_shared>> -> memref<640x128xf32, #tpu.memory_space<vmem_shared>>
      tpu.wait_dma2 semaphore(%run_scoped3A : memref<!tpu.dma_semaphore, #tpu.memory_space<semaphore_mem>>) src(%dma_wait3A_20 : memref<640x128xf32, #tpu.memory_space<vmem_shared>>) dst(%dma_wait3A_18 : memref<640x128xf32, #tpu.memory_space<hbm>>)
      tpu.yield
    }) : () -> ()
    return
  }
}

module attributes {stable_mosaic.version = 14 : i64} {
  func.func @_tc_first_body(%arg0: memref<10000x128xf32, #tpu.memory_space<vmem>>, %arg1: memref<128x128xf32, #tpu.memory_space<vmem>>, %arg2: memref<2x10240x128xf32, #tpu.memory_space<vmem>>, %arg3: memref<10240x128xf32, #tpu.memory_space<vmem>>, %arg4: memref<10240x1xf32, #tpu.memory_space<vmem>>) attributes {dimension_semantics = [], scalar_prefetch = 0 : i64, scratch_operands = 0 : i64, tpu.core_type = #tpu.core_type<tc>} {
    %get3A = arith.constant 0 : index
    %get3A_0 = arith.constant 0 : index
    %get3A_1 = arith.constant 0 : index
    %get3A_2 = vector.load %arg2[%get3A, %get3A_0, %get3A_1] : memref<2x10240x128xf32, #tpu.memory_space<vmem>>, vector<1x10240x1xf32>
    %get3A_3 = vector.shape_cast %get3A_2 : vector<1x10240x1xf32> to vector<10240x1xf32>
    %get3A_4 = arith.constant 1 : index
    %get3A_5 = arith.constant 0 : index
    %get3A_6 = arith.constant 0 : index
    %get3A_7 = vector.load %arg2[%get3A_4, %get3A_5, %get3A_6] : memref<2x10240x128xf32, #tpu.memory_space<vmem>>, vector<1x10240x1xf32>
    %get3A_8 = vector.shape_cast %get3A_7 : vector<1x10240x1xf32> to vector<10240x1xf32>
    %add3A = arith.addf %get3A_3, %get3A_8 : vector<10240x1xf32>
    %add3A_9 = arith.constant 1.000000e+00 : f32
    %add3A_10 = vector.broadcast %add3A_9 : f32 to vector<10240x1xf32>
    %add3A_11 = arith.addf %add3A, %add3A_10 : vector<10240x1xf32>
    %rsqrt3A = math.rsqrt %add3A_11 : vector<10240x1xf32>
    %swap3A = arith.constant 0 : index
    %swap3A_12 = arith.constant 0 : index
    %swap3A_13 = vector.load %arg4[%swap3A, %swap3A_12] : memref<10240x1xf32, #tpu.memory_space<vmem>>, vector<10240x1xf32>
    tpu.vector_store %arg4[%swap3A, %swap3A_12], %rsqrt3A {strides = array<i32>} : memref<10240x1xf32, #tpu.memory_space<vmem>>, vector<10240x1xf32>,
    %get3A_14 = arith.constant 0 : index
    %get3A_15 = arith.constant 0 : index
    %get3A_16 = vector.load %arg0[%get3A_14, %get3A_15] : memref<10000x128xf32, #tpu.memory_space<vmem>>, vector<10000x128xf32>
    %get3A_17 = arith.constant 0 : index
    %get3A_18 = arith.constant 0 : index
    %get3A_19 = vector.load %arg1[%get3A_17, %get3A_18] : memref<128x128xf32, #tpu.memory_space<vmem>>, vector<128x128xf32>
    %dot_general3A = arith.constant dense<0.000000e+00> : vector<10000x128xf32>
    %dot_general3A_20 = tpu.matmul %get3A_16, %get3A_19, %dot_general3A {dimension_numbers = #tpu.dot_dimension_numbers<[1], [0], [0], [1], [0, 0, 1, 1], [], []>, transpose_lhs_hint = false} : vector<10000x128xf32>, vector<128x128xf32>, vector<10000x128xf32> -> vector<10000x128xf32>
    %slice3A = vector.extract_strided_slice %rsqrt3A {offsets = [0, 0], sizes = [10000, 1], strides = [1, 1]} : vector<10240x1xf32> to vector<10000x1xf32>
    %mul3A = vector.broadcast %slice3A : vector<10000x1xf32> to vector<10000x128xf32>
    %mul3A_21 = arith.mulf %dot_general3A_20, %mul3A : vector<10000x128xf32>
    %swap3A_22 = arith.constant 0 : index
    %swap3A_23 = arith.constant 0 : index
    %swap3A_24 = vector.load %arg3[%swap3A_22, %swap3A_23] : memref<10240x128xf32, #tpu.memory_space<vmem>>, vector<10000x128xf32>
    tpu.vector_store %arg3[%swap3A_22, %swap3A_23], %mul3A_21 {strides = array<i32>} : memref<10240x128xf32, #tpu.memory_space<vmem>>, vector<10000x128xf32>,
    %broadcast_in_dim3A = arith.constant 0.000000e+00 : f32
    %broadcast_in_dim3A_25 = vector.broadcast %broadcast_in_dim3A : f32 to vector<240x128xf32>
    %swap3A_26 = arith.constant 10000 : index
    %swap3A_27 = arith.constant 0 : index
    %swap3A_28 = vector.load %arg3[%swap3A_26, %swap3A_27] : memref<10240x128xf32, #tpu.memory_space<vmem>>, vector<240x128xf32>
    tpu.vector_store %arg3[%swap3A_26, %swap3A_27], %broadcast_in_dim3A_25 {strides = array<i32>} : memref<10240x128xf32, #tpu.memory_space<vmem>>, vector<240x128xf32>,
    return
  }
}

module attributes {stable_mosaic.version = 14 : i64} {
  func.func @_tc_mid_body(%arg0: memref<2x10240x128xf32, #tpu.memory_space<vmem>>, %arg1: memref<10240x128xf32, #tpu.memory_space<vmem>>, %arg2: memref<10240x1xf32, #tpu.memory_space<vmem>>, %arg3: memref<128x128xf32, #tpu.memory_space<vmem>>, %arg4: memref<1x128xf32, #tpu.memory_space<vmem>>, %arg5: memref<1x128xf32, #tpu.memory_space<vmem>>, %arg6: memref<1x128xf32, #tpu.memory_space<vmem>>, %arg7: memref<1x128xf32, #tpu.memory_space<vmem>>, %arg8: memref<10240x128xf32, #tpu.memory_space<vmem>>) attributes {dimension_semantics = [], scalar_prefetch = 0 : i64, scratch_operands = 0 : i64, tpu.core_type = #tpu.core_type<tc>} {
    %get3A = arith.constant 0 : index
    %get3A_0 = arith.constant 0 : index
    %get3A_1 = vector.load %arg2[%get3A, %get3A_0] : memref<10240x1xf32, #tpu.memory_space<vmem>>, vector<10000x1xf32>
    %get3A_2 = arith.constant 0 : index
    %get3A_3 = arith.constant 0 : index
    %get3A_4 = arith.constant 0 : index
    %get3A_5 = vector.load %arg0[%get3A_2, %get3A_3, %get3A_4] : memref<2x10240x128xf32, #tpu.memory_space<vmem>>, vector<1x10000x128xf32>
    %get3A_6 = vector.shape_cast %get3A_5 : vector<1x10000x128xf32> to vector<10000x128xf32>
    %get3A_7 = arith.constant 1 : index
    %get3A_8 = arith.constant 0 : index
    %get3A_9 = arith.constant 0 : index
    %get3A_10 = vector.load %arg0[%get3A_7, %get3A_8, %get3A_9] : memref<2x10240x128xf32, #tpu.memory_space<vmem>>, vector<1x10000x128xf32>
    %get3A_11 = vector.shape_cast %get3A_10 : vector<1x10000x128xf32> to vector<10000x128xf32>
    %add3A = arith.addf %get3A_6, %get3A_11 : vector<10000x128xf32>
    %get3A_12 = arith.constant 0 : index
    %get3A_13 = arith.constant 0 : index
    %get3A_14 = vector.load %arg1[%get3A_12, %get3A_13] : memref<10240x128xf32, #tpu.memory_space<vmem>>, vector<10000x128xf32>
    %add3A_15 = arith.addf %add3A, %get3A_14 : vector<10000x128xf32>
    %mul3A = vector.broadcast %get3A_1 : vector<10000x1xf32> to vector<10000x128xf32>
    %mul3A_16 = arith.mulf %mul3A, %add3A_15 : vector<10000x128xf32>
    %get3A_17 = arith.constant 0 : index
    %get3A_18 = arith.constant 0 : index
    %get3A_19 = vector.load %arg4[%get3A_17, %get3A_18] : memref<1x128xf32, #tpu.memory_space<vmem>>, vector<1x128xf32>
    %add3A_20 = vector.broadcast %get3A_19 : vector<1x128xf32> to vector<10000x128xf32>
    %add3A_21 = arith.addf %mul3A_16, %add3A_20 : vector<10000x128xf32>
    %reduce_sum3A = arith.constant dense<0.000000e+00> : vector<128xf32>
    %reduce_sum3A_22 = vector.multi_reduction <add>, %add3A_21, %reduce_sum3A [0] : vector<10000x128xf32> to vector<128xf32>
    %broadcast_in_dim3A = vector.shape_cast %reduce_sum3A_22 : vector<128xf32> to vector<1x128xf32>
    %div3A = arith.constant 1.000000e+04 : f32
    %div3A_23 = vector.broadcast %div3A : f32 to vector<1x128xf32>
    %div3A_24 = arith.divf %broadcast_in_dim3A, %div3A_23 : vector<1x128xf32>
    %get3A_25 = arith.constant 0 : index
    %get3A_26 = arith.constant 0 : index
    %get3A_27 = vector.load %arg7[%get3A_25, %get3A_26] : memref<1x128xf32, #tpu.memory_space<vmem>>, vector<1x128xf32>
    %mul3A_28 = arith.mulf %get3A_27, %div3A_24 : vector<1x128xf32>
    %sub3A = vector.broadcast %mul3A_28 : vector<1x128xf32> to vector<10000x128xf32>
    %sub3A_29 = arith.subf %add3A_21, %sub3A : vector<10000x128xf32>
    %mul3A_30 = arith.mulf %sub3A_29, %sub3A_29 : vector<10000x128xf32>
    %reduce_sum3A_31 = arith.constant dense<0.000000e+00> : vector<128xf32>
    %reduce_sum3A_32 = vector.multi_reduction <add>, %mul3A_30, %reduce_sum3A_31 [0] : vector<10000x128xf32> to vector<128xf32>
    %broadcast_in_dim3A_33 = vector.shape_cast %reduce_sum3A_32 : vector<128xf32> to vector<1x128xf32>
    %div3A_34 = arith.constant 1.000000e+04 : f32
    %div3A_35 = vector.broadcast %div3A_34 : f32 to vector<1x128xf32>
    %div3A_36 = arith.divf %broadcast_in_dim3A_33, %div3A_35 : vector<1x128xf32>
    %get3A_37 = arith.constant 0 : index
    %get3A_38 = arith.constant 0 : index
    %get3A_39 = vector.load %arg5[%get3A_37, %get3A_38] : memref<1x128xf32, #tpu.memory_space<vmem>>, vector<1x128xf32>
    %mul3A_40 = vector.broadcast %get3A_39 : vector<1x128xf32> to vector<10000x128xf32>
    %mul3A_41 = arith.mulf %mul3A_40, %sub3A_29 : vector<10000x128xf32>
    %add3A_42 = arith.constant 9.99999974E-6 : f32
    %add3A_43 = vector.broadcast %add3A_42 : f32 to vector<1x128xf32>
    %add3A_44 = arith.addf %div3A_36, %add3A_43 : vector<1x128xf32>
    %sqrt3A = math.sqrt %add3A_44 : vector<1x128xf32>
    %div3A_45 = vector.broadcast %sqrt3A : vector<1x128xf32> to vector<10000x128xf32>
    %div3A_46 = arith.divf %mul3A_41, %div3A_45 : vector<10000x128xf32>
    %get3A_47 = arith.constant 0 : index
    %get3A_48 = arith.constant 0 : index
    %get3A_49 = vector.load %arg6[%get3A_47, %get3A_48] : memref<1x128xf32, #tpu.memory_space<vmem>>, vector<1x128xf32>
    %add3A_50 = vector.broadcast %get3A_49 : vector<1x128xf32> to vector<10000x128xf32>
    %add3A_51 = arith.addf %div3A_46, %add3A_50 : vector<10000x128xf32>
    %max3A = arith.constant 0.000000e+00 : f32
    %max3A_52 = vector.broadcast %max3A : f32 to vector<10000x128xf32>
    %max3A_53 = arith.maximumf %add3A_51, %max3A_52 : vector<10000x128xf32>
    %get3A_54 = arith.constant 0 : index
    %get3A_55 = arith.constant 0 : index
    %get3A_56 = vector.load %arg3[%get3A_54, %get3A_55] : memref<128x128xf32, #tpu.memory_space<vmem>>, vector<128x128xf32>
    %dot_general3A = arith.constant dense<0.000000e+00> : vector<10000x128xf32>
    %dot_general3A_57 = tpu.matmul %max3A_53, %get3A_56, %dot_general3A {dimension_numbers = #tpu.dot_dimension_numbers<[1], [0], [0], [1], [0, 0, 1, 1], [], []>, transpose_lhs_hint = false} : vector<10000x128xf32>, vector<128x128xf32>, vector<10000x128xf32> -> vector<10000x128xf32>
    %mul3A_58 = vector.broadcast %get3A_1 : vector<10000x1xf32> to vector<10000x128xf32>
    %mul3A_59 = arith.mulf %dot_general3A_57, %mul3A_58 : vector<10000x128xf32>
    %swap3A = arith.constant 0 : index
    %swap3A_60 = arith.constant 0 : index
    %swap3A_61 = vector.load %arg8[%swap3A, %swap3A_60] : memref<10240x128xf32, #tpu.memory_space<vmem>>, vector<10000x128xf32>
    tpu.vector_store %arg8[%swap3A, %swap3A_60], %mul3A_59 {strides = array<i32>} : memref<10240x128xf32, #tpu.memory_space<vmem>>, vector<10000x128xf32>,
    %broadcast_in_dim3A_62 = arith.constant 0.000000e+00 : f32
    %broadcast_in_dim3A_63 = vector.broadcast %broadcast_in_dim3A_62 : f32 to vector<240x128xf32>
    %swap3A_64 = arith.constant 10000 : index
    %swap3A_65 = arith.constant 0 : index
    %swap3A_66 = vector.load %arg8[%swap3A_64, %swap3A_65] : memref<10240x128xf32, #tpu.memory_space<vmem>>, vector<240x128xf32>
    tpu.vector_store %arg8[%swap3A_64, %swap3A_65], %broadcast_in_dim3A_63 {strides = array<i32>} : memref<10240x128xf32, #tpu.memory_space<vmem>>, vector<240x128xf32>,
    return
  }
}

module attributes {stable_mosaic.version = 14 : i64} {
  func.func @_tc_last_body(%arg0: memref<2x10240x128xf32, #tpu.memory_space<vmem>>, %arg1: memref<10240x128xf32, #tpu.memory_space<vmem>>, %arg2: memref<10240x1xf32, #tpu.memory_space<vmem>>, %arg3: memref<128x64xf32, #tpu.memory_space<vmem>>, %arg4: memref<1x128xf32, #tpu.memory_space<vmem>>, %arg5: memref<1x128xf32, #tpu.memory_space<vmem>>, %arg6: memref<1x128xf32, #tpu.memory_space<vmem>>, %arg7: memref<1x128xf32, #tpu.memory_space<vmem>>, %arg8: memref<1x64xf32, #tpu.memory_space<vmem>>, %arg9: memref<1x64xf32, #tpu.memory_space<vmem>>) attributes {dimension_semantics = [], scalar_prefetch = 0 : i64, scratch_operands = 0 : i64, tpu.core_type = #tpu.core_type<tc>} {
    %get3A = arith.constant 0 : index
    %get3A_0 = arith.constant 0 : index
    %get3A_1 = vector.load %arg2[%get3A, %get3A_0] : memref<10240x1xf32, #tpu.memory_space<vmem>>, vector<10000x1xf32>
    %get3A_2 = arith.constant 0 : index
    %get3A_3 = arith.constant 0 : index
    %get3A_4 = arith.constant 0 : index
    %get3A_5 = vector.load %arg0[%get3A_2, %get3A_3, %get3A_4] : memref<2x10240x128xf32, #tpu.memory_space<vmem>>, vector<1x10000x128xf32>
    %get3A_6 = vector.shape_cast %get3A_5 : vector<1x10000x128xf32> to vector<10000x128xf32>
    %get3A_7 = arith.constant 1 : index
    %get3A_8 = arith.constant 0 : index
    %get3A_9 = arith.constant 0 : index
    %get3A_10 = vector.load %arg0[%get3A_7, %get3A_8, %get3A_9] : memref<2x10240x128xf32, #tpu.memory_space<vmem>>, vector<1x10000x128xf32>
    %get3A_11 = vector.shape_cast %get3A_10 : vector<1x10000x128xf32> to vector<10000x128xf32>
    %add3A = arith.addf %get3A_6, %get3A_11 : vector<10000x128xf32>
    %get3A_12 = arith.constant 0 : index
    %get3A_13 = arith.constant 0 : index
    %get3A_14 = vector.load %arg1[%get3A_12, %get3A_13] : memref<10240x128xf32, #tpu.memory_space<vmem>>, vector<10000x128xf32>
    %add3A_15 = arith.addf %add3A, %get3A_14 : vector<10000x128xf32>
    %mul3A = vector.broadcast %get3A_1 : vector<10000x1xf32> to vector<10000x128xf32>
    %mul3A_16 = arith.mulf %mul3A, %add3A_15 : vector<10000x128xf32>
    %get3A_17 = arith.constant 0 : index
    %get3A_18 = arith.constant 0 : index
    %get3A_19 = vector.load %arg4[%get3A_17, %get3A_18] : memref<1x128xf32, #tpu.memory_space<vmem>>, vector<1x128xf32>
    %add3A_20 = vector.broadcast %get3A_19 : vector<1x128xf32> to vector<10000x128xf32>
    %add3A_21 = arith.addf %mul3A_16, %add3A_20 : vector<10000x128xf32>
    %reduce_sum3A = arith.constant dense<0.000000e+00> : vector<128xf32>
    %reduce_sum3A_22 = vector.multi_reduction <add>, %add3A_21, %reduce_sum3A [0] : vector<10000x128xf32> to vector<128xf32>
    %broadcast_in_dim3A = vector.shape_cast %reduce_sum3A_22 : vector<128xf32> to vector<1x128xf32>
    %div3A = arith.constant 1.000000e+04 : f32
    %div3A_23 = vector.broadcast %div3A : f32 to vector<1x128xf32>
    %div3A_24 = arith.divf %broadcast_in_dim3A, %div3A_23 : vector<1x128xf32>
    %get3A_25 = arith.constant 0 : index
    %get3A_26 = arith.constant 0 : index
    %get3A_27 = vector.load %arg7[%get3A_25, %get3A_26] : memref<1x128xf32, #tpu.memory_space<vmem>>, vector<1x128xf32>
    %mul3A_28 = arith.mulf %get3A_27, %div3A_24 : vector<1x128xf32>
    %sub3A = vector.broadcast %mul3A_28 : vector<1x128xf32> to vector<10000x128xf32>
    %sub3A_29 = arith.subf %add3A_21, %sub3A : vector<10000x128xf32>
    %mul3A_30 = arith.mulf %sub3A_29, %sub3A_29 : vector<10000x128xf32>
    %reduce_sum3A_31 = arith.constant dense<0.000000e+00> : vector<128xf32>
    %reduce_sum3A_32 = vector.multi_reduction <add>, %mul3A_30, %reduce_sum3A_31 [0] : vector<10000x128xf32> to vector<128xf32>
    %broadcast_in_dim3A_33 = vector.shape_cast %reduce_sum3A_32 : vector<128xf32> to vector<1x128xf32>
    %div3A_34 = arith.constant 1.000000e+04 : f32
    %div3A_35 = vector.broadcast %div3A_34 : f32 to vector<1x128xf32>
    %div3A_36 = arith.divf %broadcast_in_dim3A_33, %div3A_35 : vector<1x128xf32>
    %get3A_37 = arith.constant 0 : index
    %get3A_38 = arith.constant 0 : index
    %get3A_39 = vector.load %arg5[%get3A_37, %get3A_38] : memref<1x128xf32, #tpu.memory_space<vmem>>, vector<1x128xf32>
    %mul3A_40 = vector.broadcast %get3A_39 : vector<1x128xf32> to vector<10000x128xf32>
    %mul3A_41 = arith.mulf %mul3A_40, %sub3A_29 : vector<10000x128xf32>
    %add3A_42 = arith.constant 9.99999974E-6 : f32
    %add3A_43 = vector.broadcast %add3A_42 : f32 to vector<1x128xf32>
    %add3A_44 = arith.addf %div3A_36, %add3A_43 : vector<1x128xf32>
    %sqrt3A = math.sqrt %add3A_44 : vector<1x128xf32>
    %div3A_45 = vector.broadcast %sqrt3A : vector<1x128xf32> to vector<10000x128xf32>
    %div3A_46 = arith.divf %mul3A_41, %div3A_45 : vector<10000x128xf32>
    %get3A_47 = arith.constant 0 : index
    %get3A_48 = arith.constant 0 : index
    %get3A_49 = vector.load %arg6[%get3A_47, %get3A_48] : memref<1x128xf32, #tpu.memory_space<vmem>>, vector<1x128xf32>
    %add3A_50 = vector.broadcast %get3A_49 : vector<1x128xf32> to vector<10000x128xf32>
    %add3A_51 = arith.addf %div3A_46, %add3A_50 : vector<10000x128xf32>
    %max3A = arith.constant 0.000000e+00 : f32
    %max3A_52 = vector.broadcast %max3A : f32 to vector<10000x128xf32>
    %max3A_53 = arith.maximumf %add3A_51, %max3A_52 : vector<10000x128xf32>
    %reduce_sum3A_54 = arith.constant dense<0.000000e+00> : vector<128xf32>
    %reduce_sum3A_55 = vector.multi_reduction <add>, %max3A_53, %reduce_sum3A_54 [0] : vector<10000x128xf32> to vector<128xf32>
    %broadcast_in_dim3A_56 = vector.shape_cast %reduce_sum3A_55 : vector<128xf32> to vector<1x128xf32>
    %div3A_57 = arith.constant 1.000000e+04 : f32
    %div3A_58 = vector.broadcast %div3A_57 : f32 to vector<1x128xf32>
    %div3A_59 = arith.divf %broadcast_in_dim3A_56, %div3A_58 : vector<1x128xf32>
    %get3A_60 = arith.constant 0 : index
    %get3A_61 = arith.constant 0 : index
    %get3A_62 = vector.load %arg3[%get3A_60, %get3A_61] : memref<128x64xf32, #tpu.memory_space<vmem>>, vector<128x64xf32>
    %dot_general3A = arith.constant dense<0.000000e+00> : vector<1x64xf32>
    %dot_general3A_63 = tpu.matmul %div3A_59, %get3A_62, %dot_general3A {dimension_numbers = #tpu.dot_dimension_numbers<[1], [0], [0], [1], [0, 0, 1, 1], [], []>, transpose_lhs_hint = false} : vector<1x128xf32>, vector<128x64xf32>, vector<1x64xf32> -> vector<1x64xf32>
    %get3A_64 = arith.constant 0 : index
    %get3A_65 = arith.constant 0 : index
    %get3A_66 = vector.load %arg8[%get3A_64, %get3A_65] : memref<1x64xf32, #tpu.memory_space<vmem>>, vector<1x64xf32>
    %add3A_67 = arith.addf %dot_general3A_63, %get3A_66 : vector<1x64xf32>
    %swap3A = arith.constant 0 : index
    %swap3A_68 = arith.constant 0 : index
    %swap3A_69 = vector.load %arg9[%swap3A, %swap3A_68] : memref<1x64xf32, #tpu.memory_space<vmem>>, vector<1x64xf32>
    tpu.vector_store %arg9[%swap3A, %swap3A_68], %add3A_67 {strides = array<i32>} : memref<1x64xf32, #tpu.memory_space<vmem>>, vector<1x64xf32>,
    return
  }
}

</mosaic_0001>

<sc_bundles>
// kernel: kernel.12.cloned.1.call-start
scs
__scs_entry_jumppad:
0x0: {  	(pc) =	sbr.rel $0x88, $3  }
0x1: {  	(tag) =	ssettag $0x0;
	lr =	simm.s32 $0x1  }
0x2: {  	[smem:$0x3F89] =	sst lr;
	_ =	strace $0xD0000000  }
0x3: {  	_ = 	snop  }
0x4: {  	_ = 	snop  }
0x5: {  	_ = 	snop  }
0x6: {  	_ = 	snop  }
0x7: {  	_ = 	snop  }
__scs_overlays_trampoline_lowered:
0x8: {  	[smem:$0x3F98] =	sst s0  }
0x9: {  	[smem:$0x3F99] =	sst s1  }
0xa: {  	[smem:$0x3F9A] =	sst s2  }
0xb: {  	[smem:$0x3F9B] =	sst s3  }
0xc: {  	[smem:$0x3F9C] =	sst s4  }
0xd: {  	[smem:$0x3F9D] =	sst s5  }
0xe: {  	[smem:$0x3F9E] =	sst s6  }
0xf: {  	[smem:$0x3F9F] =	sst s7  }
0x10: {  	[smem:$0x3FA0] =	sst s8  }
0x11: {  	[smem:$0x3FA1] =	sst s9;
	s0 =	simm.s32 @!p0 $0x0  }
0x12: {  	s1 =	sld [smem:$0x3F87];
	s0 =	simm.s32 @p0 $0x1  }
0x13: {  	[smem:$0x3FA2] =	sst s0;
	s0 =	simm.s32 @!p1 $0x0  }
0x14: {  	s2 =	sld [smem:$0x3F86];
	s0 =	simm.s32 @p1 $0x1  }
0x15: {  	[smem:$0x3FA3] =	sst s0;
	s0 =	simm.s32 @!p2 $0x0  }
0x16: {  	s3 =	sld [smem:$0x3FDB];
	s0 =	simm.s32 @p2 $0x1  }
0x17: {  	s4 =	simm.s32 $0x1BF5;
	[smem:$0x3FA5] =	sst s0  }
0x18: {  	s0 =	sld [smem:$0x3F88];
	_ =	swait.ge [sflag:s4], $0x0  }
0x19: {  	s7 =	sld [smem:$0x3F89]  }
0x1a: {  	s8 =	sadd.s32 $0xFFFFE003, lr  }
0x1b: {  	s9 =	sadd.s32 $0xFFFFFEF7, lr;
	s5 =	simm.s32 $0xFFFFFFFF;
	p2 =	slt.u32 s8, $0xFFFFF086  }
0x1c: {  	p1 =	slt.u32 s9, $0xF7A;
	s5 =	simm.s32 @!p2 $0x0  }
0x1d: {  	s5 =	simm.s32 @p1 $0x1;
	p0 =	seq.s32 s7, s2  }
0x1e: {  	s7 =	smul.u32 @!p0 $0xF7A, s2;
	p2 =	seq.s32 @!p0 s5, $0x0  }
0x1f: {  	s9 =	smul.u32 $0xF7A, s1;
	s8 =	simm.s32 @!p0 $0x1BF5;
	p2 =	por !p2, p0  }
0x20: {  	[sflag:s8] =	ssyncset.s32 @!p0 $0xFFFFF086;
	s6 =	sadd.s32 @!p0 s3, s7;
	s7 =	simm.s32 @!p0 $0x108  }
0x21: {  	s3 =	sadd.s32 s3, s9;
	s6 =	sadd.s32 @!p0 $0x88, s6;
	s7 =	simm.s32 @p2 $0x1082  }
0x22: {  	[simem:s7], [sflag:s8] =	dma.local @!p0 [hbm:s6], $0xF7A  }
0x23: {  	s9 =	sor.u32 $0xD0000000, s2;
	s6 =	simm.s32 $0x108;
	_ =	swait.ge @!p0 [sflag:s8], $0x0  }
0x24: {  	s3 =	sadd.s32 $0x88, s3;
	s6 =	simm.s32 @!p1 $0x1082;
	[sflag:s4] =	ssyncset.s32 $0xFFFFF086  }
0x25: {  	[simem:s6], [sflag:s4] =	dma.local [hbm:s3], $0xF7A  }
0x26: {  	[smem:$0x3F89] =	sst s1;
	(tag) =	ssettag s2;
	_ =	strace s9  }
0x27: {  	s1 =	sld [smem:$0x3F99]  }
0x28: {  	s2 =	sld [smem:$0x3F9A]  }
0x29: {  	s4 =	sld [smem:$0x3F9C]  }
0x2a: {  	p0 =	seq.s32 s5, $0x0;
	s5 =	sld [smem:$0x3F9D]  }
0x2b: {  	s6 =	sld [smem:$0x3F9E]  }
0x2c: {  	s7 =	sld [smem:$0x3F9F]  }
0x2d: {  	s3 =	simm.s32 $0x108;
	s8 =	sld [smem:$0x3FA0]  }
0x2e: {  	s3 =	simm.s32 @!p0 $0x1082;
	s9 =	sld [smem:$0x3FA1]  }
0x2f: {  	lr =	sadd.s32 s0, s3;
	s0 =	sld [smem:$0x3F98]  }
0x30: {  	s3 =	sld [smem:$0x3F9B]  }
0x31: {  	[smem:$0x3FA4] =	sst s10  }
0x32: {  	s10 =	sld [smem:$0x3FA2];
	_ =	sdelay $0x3  }
0x33: {  	p0 =	seq.s32 s10, $0x1;
	s10 =	sld [smem:$0x3FA4];
	_ =	sdelay $0x3  }
0x34: {  	[smem:$0x3FA4] =	sst s10  }
0x35: {  	s10 =	sld [smem:$0x3FA3];
	_ =	sdelay $0x3  }
0x36: {  	p1 =	seq.s32 s10, $0x1;
	s10 =	sld [smem:$0x3FA4];
	_ =	sdelay $0x3  }
0x37: {  	[smem:$0x3FA4] =	sst s10  }
0x38: {  	s10 =	sld [smem:$0x3FA5]  }
0x39: {  	_ = 	snop;
	(pc) =	sbr.ind lr, $3  }
0x3a: {  	_ = 	snop  }
0x3b: {  	_ = 	snop  }
0x3c: {  	p2 =	seq.s32 s10, $0x1;
	s10 =	sld [smem:$0x3FA4]  }
0x3d: {  	_ =	shalt  }
0x3e: {  	_ =	shalt  }
0x3f: {  	_ =	shalt  }
0x40: {  	_ =	shalt  }
0x41: {  	_ =	shalt  }
0x42: {  	_ =	shalt  }
0x43: {  	_ =	shalt  }
0x44: {  	_ =	shalt  }
0x45: {  	_ =	shalt  }
0x46: {  	_ =	shalt  }
0x47: {  	_ =	shalt  }
0x48: {  	_ =	shalt  }
0x49: {  	_ =	shalt  }
0x4a: {  	_ =	shalt  }
0x4b: {  	_ =	shalt  }
0x4c: {  	_ =	shalt  }
0x4d: {  	_ =	shalt  }
0x4e: {  	_ =	shalt  }
0x4f: {  	_ =	shalt  }
0x50: {  	_ =	shalt  }
0x51: {  	_ =	shalt  }
0x52: {  	_ =	shalt  }
0x53: {  	_ =	shalt  }
0x54: {  	_ =	shalt  }
0x55: {  	_ =	shalt  }
0x56: {  	_ =	shalt  }
0x57: {  	_ =	shalt  }
0x58: {  	_ =	shalt  }
0x59: {  	_ =	shalt  }
0x5a: {  	_ =	shalt  }
0x5b: {  	_ =	shalt  }
0x5c: {  	_ =	shalt  }
0x5d: {  	_ =	shalt  }
0x5e: {  	_ =	shalt  }
0x5f: {  	_ =	shalt  }
0x60: {  	_ =	shalt  }
0x61: {  	_ =	shalt  }
0x62: {  	_ =	shalt  }
0x63: {  	_ =	shalt  }
0x64: {  	_ =	shalt  }
0x65: {  	_ =	shalt  }
0x66: {  	_ =	shalt  }
0x67: {  	_ =	shalt  }
0x68: {  	_ =	shalt  }
0x69: {  	_ =	shalt  }
0x6a: {  	_ =	shalt  }
0x6b: {  	_ =	shalt  }
0x6c: {  	_ =	shalt  }
0x6d: {  	_ =	shalt  }
0x6e: {  	_ =	shalt  }
0x6f: {  	_ =	shalt  }
0x70: {  	_ =	shalt  }
0x71: {  	_ =	shalt  }
0x72: {  	_ =	shalt  }
0x73: {  	_ =	shalt  }
0x74: {  	_ =	shalt  }
0x75: {  	_ =	shalt  }
0x76: {  	_ =	shalt  }
0x77: {  	_ =	shalt  }
0x78: {  	_ =	shalt  }
0x79: {  	_ =	shalt  }
0x7a: {  	_ =	shalt  }
0x7b: {  	_ =	shalt  }
0x7c: {  	_ =	shalt  }
0x7d: {  	_ =	shalt  }
0x7e: {  	_ =	shalt  }
0x7f: {  	_ =	shalt  }
0x80: {  	_ =	shalt  }
0x81: {  	_ =	shalt  }
0x82: {  	_ =	shalt  }
0x83: {  	_ =	shalt  }
0x84: {  	_ =	shalt  }
0x85: {  	_ =	shalt  }
0x86: {  	_ =	shalt  }
0x87: {  	_ =	shalt  }
.Lfunc_end0:
.L_simem_size_0:
called_computation_lowered:
.L_overlay_start_0:
0x88: {  	s2 =	sld [smem:$0x3FD9]  }
0x89: {  	s3 =	sld [smem:$0x3FFE];
	_ =	sdelay $0x1  }
0x8a: {  	s1 =	srdreg.scid  }
0x8b: {  	s0 =	sand.u32 $0x1, s1  }
0x8c: {  	s16 =	sshll.u32 s0, $0xA;
	s2 =	sadd.s32 s3, s2  }
0x8d: {  	s2 =	sadd.s32 s2, s16  }
0x8e: {  	[smem:$0x3FB0] =	sst s2  }
0x8f: {  	_ = 	snop  }
0x90: {  	(tm) =	ssettm $0x1  }
0x91: {  	s17 =	sld [smem:$0x3FFB];
	_ =	sdelay $0x3  }
0x92: {  	_ =	strace s17  }
0x93: {  	s2 =	sld [smem:$0x3FFC];
	_ =	sdelay $0x3  }
0x94: {  	_ =	strace s2  }
0x95: {  	s2 =	sld [smem:$0x3FFD];
	_ =	sdelay $0x3  }
0x96: {  	_ =	strace s2  }
0x97: {  	_ =	strace $0x8FFFFFFF  }
0x98: {  	s18 =	sld [smem:$0x3FDB];
	_ =	sdelay $0x1  }
0x99: {  	s19 =	simm.s32 $_scs_section_size  }
0x9a: {  	s4 =	simm.s32 $_size__tile_overlayer_lowered;
	s5 =	simm.s32 $_tile_overlayer_lowered  }
0x9b: {  	s22 =	simm.s32 $0x1BFF;
	s21 =	sshll.u32 s5, $0x1;
	s2 =	sadd.s32 s19, s18  }
0x9c: {  	s6 =	simm.s32 $0x0;
	s20 =	sshll.u32 s4, $0x1;
	s4 =	sadd.s32 s21, s2  }
0x9d: {  	[timem:s6], [sflag:s22] =	dma.local [hbm:s4], s20  }
0x9e: {  	_ =	swait.ge [sflag:s22], s20  }
0x9f: {  	s3 =	ssub.s32 $0x0, s20;
	[sflag:s22] =	ssyncset.done $0x0  }
0xa0: {  	[sflag:s22] =	ssyncadd.s32 s3;
	_ =	sdelay $0x1  }
0xa1: {  	s23 =	simm.s32 $0x1B8B  }
0xa2: {  	_ =	swait.ge [sflag:s23], $0x1  }
0xa3: {  	[sflag:s23] =	ssyncset.done $0x0  }
0xa4: {  	s25 =	simm.s32 $0x1B8E;
	s24 =	sld [smem:$0x3FFE];
	[sflag:s23] =	ssyncadd.s32 $0xFFFFFFFF  }
0xa5: {  	s26 =	simm.s32 $execute0_lowered;
	[smem:$0x3FD2] =	sst s25  }
0xa6: {  	s4 =	sshll.u32 s26, $0x1;
	_ =	strace $0x80000046;
	[dreg:$0x1] =	wrdreg $0xFFFFFFFF  }
0xa7: {  	s28 =	simm.s32 $_size_execute0_lowered;
	s2 =	sadd.s32 s2, s4;
	[dreg:$0x0] =	wrdreg $0x0  }
0xa8: {  	s4 =	sshll.u32 s28, $0x1;
	[dreg:$0x2] =	wrdreg s2  }
0xa9: {  	[dreg:$0x3] =	wrdreg s4  }
0xaa: {  	[dreg:$0x4] =	wrdreg $0xC0  }
0xab: {  	_ =	task [dreg:s6], $0x5FFFF  }
0xac: {  	[dreg:$0x1] =	wrdreg $0xFFFFFFFF  }
0xad: {  	[dreg:$0x0] =	wrdreg $0x60  }
0xae: {  	[dreg:$0x2] =	wrdreg s24  }
0xaf: {  	[dreg:$0x3] =	wrdreg $0x68000  }
0xb0: {  	[dreg:$0x4] =	wrdreg $0x9  }
0xb1: {  	_ =	task.clear_ibuf [dreg:s6], $0x5FFFF;
	_ =	strace $0x90000046  }
0xb2: {  	s29 =	simm.s32 $0x9;
	_ =	strace $0x80000048  }
0xb3: {  	_ =	swait.ge [sflag:s29], $0x1  }
0xb4: {  	[sflag:s29] =	ssyncadd.s32 $0xFFFFFFFF  }
0xb5: {  	_ =	strace $0x90000048  }
0xb6: {  	_ =	sfence  }
0xb7: {  	s30 =	sld [smem:$0x0];
	_ =	sdelay $0x2  }
0xb8: {  	s31 =	sshll.u32 s1, $0xD;
	s1 =	sshrl.u32 s1, $0x2  }
0xb9: {  	s3 =	sand.u32 $0x4000, s31;
	s1 =	sadd.s32 s1, s30  }
0xba: {  	s0 =	sor.u32 s3, s0;
	s1 =	sshll.u32 s1, $0x11  }
0xbb: {  	s0 =	sor.u32 s1, s0  }
0xbc: {  	s0 =	sadd.s32 $0x8F2B, s0  }
0xbd: {  	[sflag:s0] =	ssyncadd.remote.s32 $0x1  }
0xbe: {  	_ =	sfence.sel $0xFFFF  }
0xbf: {  	[dreg:$0x0] =	wrdreg $0xFFFFFFFF;
	(pc) =	sbr.abs _section_cstart, $3  }
0xc0: {  	[dreg:$0x1] =	wrdreg $0xFFFFFFFF  }
0xc1: {  	_ =	task.clear_ibuf [dreg:s6], $0x2FFFF;
	_ =	strace $0x9FFFFFFF  }
0xc2: {  	(tm) =	ssettm $0x7FFFFFFF  }
0xc3: {  	_ =	shalt  }
tec
execute0_lowered:
.L_overlay_start_1:
0x0: {  	(tag) =	ssettag $0x1  }
0x1: {  	s1 =	srdreg.scid  }
0x2: {  	s0 =	stileid.u32;
	s7 =	rddreg [dreg:$0x0]  }
0x3: {  	s2 =	rddreg [dreg:$0x1];
	s3 =	simm.s32 $0x0;
	s13 =	simm.s32 $0x80  }
0x4: {  	s14 =	simm.s32 $0x0;
	s6 =	sand.u32 $0x1, s1;
	s8 =	smul.u32 $0x14000, s0  }
0x5: {  	s30 =	sshll.u32 s0, $0x1;
	[smem:$0x7FF] =	sst s3;
	s10 =	smul.u32 $0x50000, s0  }
0x6: {  	s11 =	sshll.u32 s0, $0x6;
	s1 =	sor.u32 s6, s30;
	s5 =	smul.u32 $0x140000, s6  }
0x7: {  	s6 =	ssub.s32 $0x2, s6;
	s11 =	sor.u32 $0x1C01, s11;
	s4 =	smul.u32 $0x500, s1  }
0x8: {  	s1 =	rddreg [dreg:$0x2];
	_ =	strace $0x80000047;
	s31 =	sshrl.u32 s6, $0x1  }
0x9: {  	s10 =	sshrl.u32 s10, $0x2;
	s8 =	sadd.s32 s8, s5;
	s5 =	sadd.s32 $0xFA00, s7  }
0xa: {  	s12 =	sadd.s32 s10, s2;
	s10 =	simm.s32 $0x2800;
	s9 =	sadd.s32 s4, s7  }
0xb: {  	s4 =	sadd.s32 $0x12200, s7;
	s8 =	sshrl.u32 s8, $0x3;
	s12 =	sshrl.u32 s12, $0x3  }
0xc: {  	s7 =	sadd.s32 s8, s7;
	s8 =	ssub.s32 s6, s31;
	s6 =	sadd.s32 $0x5A00, s9  }
0xd: {  	s9 =	simm.s32 $0x1;
	s7 =	sadd.s32 $0x12A00, s7;
	s8 =	smax.u32 s8, $0x1  }
.LBB2_1:
0xe: {  	[tilespmem:s3], [sflag:$0x1] =	stream.linear.gather [hbm4b:s6+s3], $0x2800, $0x38;
	[tilespmem:$0x1A800] =	vst v63  }
0xf: {  	_ =	swait.ge [sflag:s9], $0x2800  }
0x10: {  	[sflag:s9] =	ssyncset.done $0x0  }
0x11: {  	[sflag:s9] =	ssyncadd.s32 $0xFFFFD800  }
0x12: {  	[tilespmem:s10], [sflag:$0x1] =	stream.linear.gather [hbm4b:s4+s3], $0x4000, $0x38;
	[tilespmem:$0x1A800] =	vst v63  }
0x13: {  	_ =	swait.ge [sflag:s9], $0x4000  }
0x14: {  	[sflag:s9] =	ssyncset.done $0x0  }
0x15: {  	[sflag:s9] =	ssyncadd.s32 $0xFFFFC000  }
0x16: {  	[spmem:s12], [sflag:s11] =	dma.local [hbm:s5], $0x2800  }
0x17: {  	_ =	swait.ge [sflag:s9], $0x2800  }
0x18: {  	[sflag:s9] =	ssyncset.done $0x0  }
0x19: {  	[sflag:s9] =	ssyncadd.s32 $0xFFFFD800  }
0x1a: {  	s15 =	simm.s32 $0x0;
	[bflag:$0x0] =	sbarrier.arrive $0xFFFF  }
0x1b: {  	[spmem:s2] =	stream.indirect.scatter.add.f32 [tilespmem:s10], [sflag:$0x1], $0x80, s15, s13, $0xb8;
	[tilespmem:$0x1A800] =	vst v63  }
0x1c: {  	_ =	swait.ge [sflag:s9], $0x4000  }
0x1d: {  	s15 =	simm.s32 $0x200;
	[sflag:s9] =	ssyncset.done $0x0  }
.LBB2_2:
0x1e: {  	s16 =	sshra.s32 s15, $0x2;
	[sflag:s9] =	ssyncadd.s32 $0xFFFFC000;
	p0 =	sne.s32 s15, $0x9E00  }
0x1f: {  	[spmem:s2] =	stream.indirect.scatter.add.f32 [tilespmem:s10], [sflag:$0x1], $0x80, s16, s13, $0xb8;
	[tilespmem:$0x1A800] =	vst v63  }
.Ltmp0:
0x20: {  	_ = 	snop;
	(pc) =	sbr.rel @p0 .LBB2_2-.Ltmp0, $4  }
0x21: {  	_ = 	snop  }
0x22: {  	s15 =	sadd.s32 $0x200, s15  }
0x23: {  	_ =	swait.ge [sflag:s9], $0x4000  }
0x24: {  	[sflag:s9] =	ssyncset.done $0x0  }
0x25: {  	s14 =	sadd.s32 $0x1, s14  }
0x26: {  	[sflag:s9] =	ssyncadd.s32 $0xFFFFC000;
	p0 =	sne.s32 s14, s8  }
.Ltmp1:
0x27: {  	[bflag:$0x0] =	sbarrier.arrive $0xFFFF;
	(pc) =	sbr.rel @p0 .LBB2_1-.Ltmp1, $4  }
0x28: {  	[hbm:s7], [sflag:s11] =	dma.local [spmem:s12], $0x2800  }
0x29: {  	_ =	swait.ge [sflag:s9], $0x2800  }
0x2a: {  	[sflag:s9] =	ssyncset.done $0x0  }
0x2b: {  	[sflag:s9] =	ssyncadd.s32 $0xFFFFD800  }
0x2c: {  	_ =	sfence.sel $0x180000  }
0x2d: {  	[bflag:$0x0] =	sbarrier.arrive $0xFFFF  }
0x2e: {  	p0 =	sne.s32 s0, $0x0;
	_ =	strace $0x90000047  }
0x2f: {  	s0 =	sadd.s32 @!p0 $0x100000, s1;
	[bflag:$0x2] =	sbarrier.arrive $0xFFFF  }
0x30: {  	[sflag:s0] =	ssyncadd.tile.s32 @!p0 $0x1;
	_ =	shalt  }
.Lfunc_end2:
_tile_overlayer_lowered:
.L_overlay_start_2:
0x31: {  	(tag) =	ssettag $0x2  }
0x32: {  	s0 =	rddreg [dreg:$0x0];
	s2 =	stileid.u32  }
0x33: {  	s1 =	rddreg [dreg:$0x1];
	p0 =	sne.s32 s2, $0x0  }
0x34: {  	s3 =	rddreg [dreg:$0x2];
	[bflag:$0x3] =	sbarrier.arrive $0xFFFF;
	s2 =	simm.s32 @!p0 $0x1C01  }
0x35: {  	[timem:s3], [sflag:s2] =	dma.local @!p0 [hbm:s0], s1  }
0x36: {  	s0 =	simm.s32 @!p0 $0x1  }
0x37: {  	_ =	swait.ge @!p0 [sflag:s0], s1  }
0x38: {  	s1 =	ssub.s32 @!p0 $0x0, s1;
	[sflag:s0] =	ssyncset.done @!p0 $0x0  }
0x39: {  	[sflag:s0] =	ssyncadd.s32 @!p0 s1  }
0x3a: {  	[bflag:$0x3] =	sbarrier.arrive $0xFFFF  }
0x3b: {  	_ =	shalt  }

// kernel: kernel.15.cloned.1.call-start
scs
__scs_entry_jumppad:
0x0: {  	(pc) =	sbr.rel $0x88, $3  }
0x1: {  	(tag) =	ssettag $0x0;
	lr =	simm.s32 $0x1  }
0x2: {  	[smem:$0x3F89] =	sst lr;
	_ =	strace $0xD0000000  }
0x3: {  	_ = 	snop  }
0x4: {  	_ = 	snop  }
0x5: {  	_ = 	snop  }
0x6: {  	_ = 	snop  }
0x7: {  	_ = 	snop  }
__scs_overlays_trampoline_lowered:
0x8: {  	[smem:$0x3F98] =	sst s0  }
0x9: {  	[smem:$0x3F99] =	sst s1  }
0xa: {  	[smem:$0x3F9A] =	sst s2  }
0xb: {  	[smem:$0x3F9B] =	sst s3  }
0xc: {  	[smem:$0x3F9C] =	sst s4  }
0xd: {  	[smem:$0x3F9D] =	sst s5  }
0xe: {  	[smem:$0x3F9E] =	sst s6  }
0xf: {  	[smem:$0x3F9F] =	sst s7  }
0x10: {  	[smem:$0x3FA0] =	sst s8  }
0x11: {  	[smem:$0x3FA1] =	sst s9;
	s0 =	simm.s32 @!p0 $0x0  }
0x12: {  	s1 =	sld [smem:$0x3F87];
	s0 =	simm.s32 @p0 $0x1  }
0x13: {  	[smem:$0x3FA2] =	sst s0;
	s0 =	simm.s32 @!p1 $0x0  }
0x14: {  	s2 =	sld [smem:$0x3F86];
	s0 =	simm.s32 @p1 $0x1  }
0x15: {  	[smem:$0x3FA3] =	sst s0;
	s0 =	simm.s32 @!p2 $0x0  }
0x16: {  	s3 =	sld [smem:$0x3FDB];
	s0 =	simm.s32 @p2 $0x1  }
0x17: {  	s4 =	simm.s32 $0x1BF5;
	[smem:$0x3FA5] =	sst s0  }
0x18: {  	s0 =	sld [smem:$0x3F88];
	_ =	swait.ge [sflag:s4], $0x0  }
0x19: {  	s7 =	sld [smem:$0x3F89]  }
0x1a: {  	s8 =	sadd.s32 $0xFFFFE003, lr  }
0x1b: {  	s9 =	sadd.s32 $0xFFFFFEF7, lr;
	s5 =	simm.s32 $0xFFFFFFFF;
	p2 =	slt.u32 s8, $0xFFFFF086  }
0x1c: {  	p1 =	slt.u32 s9, $0xF7A;
	s5 =	simm.s32 @!p2 $0x0  }
0x1d: {  	s5 =	simm.s32 @p1 $0x1;
	p0 =	seq.s32 s7, s2  }
0x1e: {  	s7 =	smul.u32 @!p0 $0xF7A, s2;
	p2 =	seq.s32 @!p0 s5, $0x0  }
0x1f: {  	s9 =	smul.u32 $0xF7A, s1;
	s8 =	simm.s32 @!p0 $0x1BF5;
	p2 =	por !p2, p0  }
0x20: {  	[sflag:s8] =	ssyncset.s32 @!p0 $0xFFFFF086;
	s6 =	sadd.s32 @!p0 s3, s7;
	s7 =	simm.s32 @!p0 $0x108  }
0x21: {  	s3 =	sadd.s32 s3, s9;
	s6 =	sadd.s32 @!p0 $0x88, s6;
	s7 =	simm.s32 @p2 $0x1082  }
0x22: {  	[simem:s7], [sflag:s8] =	dma.local @!p0 [hbm:s6], $0xF7A  }
0x23: {  	s9 =	sor.u32 $0xD0000000, s2;
	s6 =	simm.s32 $0x108;
	_ =	swait.ge @!p0 [sflag:s8], $0x0  }
0x24: {  	s3 =	sadd.s32 $0x88, s3;
	s6 =	simm.s32 @!p1 $0x1082;
	[sflag:s4] =	ssyncset.s32 $0xFFFFF086  }
0x25: {  	[simem:s6], [sflag:s4] =	dma.local [hbm:s3], $0xF7A  }
0x26: {  	[smem:$0x3F89] =	sst s1;
	(tag) =	ssettag s2;
	_ =	strace s9  }
0x27: {  	s1 =	sld [smem:$0x3F99]  }
0x28: {  	s2 =	sld [smem:$0x3F9A]  }
0x29: {  	s4 =	sld [smem:$0x3F9C]  }
0x2a: {  	p0 =	seq.s32 s5, $0x0;
	s5 =	sld [smem:$0x3F9D]  }
0x2b: {  	s6 =	sld [smem:$0x3F9E]  }
0x2c: {  	s7 =	sld [smem:$0x3F9F]  }
0x2d: {  	s3 =	simm.s32 $0x108;
	s8 =	sld [smem:$0x3FA0]  }
0x2e: {  	s3 =	simm.s32 @!p0 $0x1082;
	s9 =	sld [smem:$0x3FA1]  }
0x2f: {  	lr =	sadd.s32 s0, s3;
	s0 =	sld [smem:$0x3F98]  }
0x30: {  	s3 =	sld [smem:$0x3F9B]  }
0x31: {  	[smem:$0x3FA4] =	sst s10  }
0x32: {  	s10 =	sld [smem:$0x3FA2];
	_ =	sdelay $0x3  }
0x33: {  	p0 =	seq.s32 s10, $0x1;
	s10 =	sld [smem:$0x3FA4];
	_ =	sdelay $0x3  }
0x34: {  	[smem:$0x3FA4] =	sst s10  }
0x35: {  	s10 =	sld [smem:$0x3FA3];
	_ =	sdelay $0x3  }
0x36: {  	p1 =	seq.s32 s10, $0x1;
	s10 =	sld [smem:$0x3FA4];
	_ =	sdelay $0x3  }
0x37: {  	[smem:$0x3FA4] =	sst s10  }
0x38: {  	s10 =	sld [smem:$0x3FA5]  }
0x39: {  	_ = 	snop;
	(pc) =	sbr.ind lr, $3  }
0x3a: {  	_ = 	snop  }
0x3b: {  	_ = 	snop  }
0x3c: {  	p2 =	seq.s32 s10, $0x1;
	s10 =	sld [smem:$0x3FA4]  }
0x3d: {  	_ =	shalt  }
0x3e: {  	_ =	shalt  }
0x3f: {  	_ =	shalt  }
0x40: {  	_ =	shalt  }
0x41: {  	_ =	shalt  }
0x42: {  	_ =	shalt  }
0x43: {  	_ =	shalt  }
0x44: {  	_ =	shalt  }
0x45: {  	_ =	shalt  }
0x46: {  	_ =	shalt  }
0x47: {  	_ =	shalt  }
0x48: {  	_ =	shalt  }
0x49: {  	_ =	shalt  }
0x4a: {  	_ =	shalt  }
0x4b: {  	_ =	shalt  }
0x4c: {  	_ =	shalt  }
0x4d: {  	_ =	shalt  }
0x4e: {  	_ =	shalt  }
0x4f: {  	_ =	shalt  }
0x50: {  	_ =	shalt  }
0x51: {  	_ =	shalt  }
0x52: {  	_ =	shalt  }
0x53: {  	_ =	shalt  }
0x54: {  	_ =	shalt  }
0x55: {  	_ =	shalt  }
0x56: {  	_ =	shalt  }
0x57: {  	_ =	shalt  }
0x58: {  	_ =	shalt  }
0x59: {  	_ =	shalt  }
0x5a: {  	_ =	shalt  }
0x5b: {  	_ =	shalt  }
0x5c: {  	_ =	shalt  }
0x5d: {  	_ =	shalt  }
0x5e: {  	_ =	shalt  }
0x5f: {  	_ =	shalt  }
0x60: {  	_ =	shalt  }
0x61: {  	_ =	shalt  }
0x62: {  	_ =	shalt  }
0x63: {  	_ =	shalt  }
0x64: {  	_ =	shalt  }
0x65: {  	_ =	shalt  }
0x66: {  	_ =	shalt  }
0x67: {  	_ =	shalt  }
0x68: {  	_ =	shalt  }
0x69: {  	_ =	shalt  }
0x6a: {  	_ =	shalt  }
0x6b: {  	_ =	shalt  }
0x6c: {  	_ =	shalt  }
0x6d: {  	_ =	shalt  }
0x6e: {  	_ =	shalt  }
0x6f: {  	_ =	shalt  }
0x70: {  	_ =	shalt  }
0x71: {  	_ =	shalt  }
0x72: {  	_ =	shalt  }
0x73: {  	_ =	shalt  }
0x74: {  	_ =	shalt  }
0x75: {  	_ =	shalt  }
0x76: {  	_ =	shalt  }
0x77: {  	_ =	shalt  }
0x78: {  	_ =	shalt  }
0x79: {  	_ =	shalt  }
0x7a: {  	_ =	shalt  }
0x7b: {  	_ =	shalt  }
0x7c: {  	_ =	shalt  }
0x7d: {  	_ =	shalt  }
0x7e: {  	_ =	shalt  }
0x7f: {  	_ =	shalt  }
0x80: {  	_ =	shalt  }
0x81: {  	_ =	shalt  }
0x82: {  	_ =	shalt  }
0x83: {  	_ =	shalt  }
0x84: {  	_ =	shalt  }
0x85: {  	_ =	shalt  }
0x86: {  	_ =	shalt  }
0x87: {  	_ =	shalt  }
.Lfunc_end0:
.L_simem_size_0:
called_computation.1_lowered:
.L_overlay_start_0:
0x88: {  	s2 =	sld [smem:$0x3FD9]  }
0x89: {  	s3 =	sld [smem:$0x3FFE];
	_ =	sdelay $0x1  }
0x8a: {  	s1 =	srdreg.scid  }
0x8b: {  	s0 =	sand.u32 $0x1, s1  }
0x8c: {  	s16 =	sshll.u32 s0, $0xA;
	s2 =	sadd.s32 s3, s2  }
0x8d: {  	s2 =	sadd.s32 s2, s16  }
0x8e: {  	[smem:$0x3FB0] =	sst s2  }
0x8f: {  	_ = 	snop  }
0x90: {  	(tm) =	ssettm $0x1  }
0x91: {  	s17 =	sld [smem:$0x3FFB];
	_ =	sdelay $0x3  }
0x92: {  	_ =	strace s17  }
0x93: {  	s2 =	sld [smem:$0x3FFC];
	_ =	sdelay $0x3  }
0x94: {  	_ =	strace s2  }
0x95: {  	s2 =	sld [smem:$0x3FFD];
	_ =	sdelay $0x3  }
0x96: {  	_ =	strace s2  }
0x97: {  	_ =	strace $0x8FFFFFFF  }
0x98: {  	s18 =	sld [smem:$0x3FDB];
	_ =	sdelay $0x1  }
0x99: {  	s19 =	simm.s32 $_scs_section_size  }
0x9a: {  	s4 =	simm.s32 $_size__tile_overlayer_lowered;
	s5 =	simm.s32 $_tile_overlayer_lowered  }
0x9b: {  	s22 =	simm.s32 $0x1BFF;
	s21 =	sshll.u32 s5, $0x1;
	s2 =	sadd.s32 s19, s18  }
0x9c: {  	s6 =	simm.s32 $0x0;
	s20 =	sshll.u32 s4, $0x1;
	s4 =	sadd.s32 s21, s2  }
0x9d: {  	[timem:s6], [sflag:s22] =	dma.local [hbm:s4], s20  }
0x9e: {  	_ =	swait.ge [sflag:s22], s20  }
0x9f: {  	s3 =	ssub.s32 $0x0, s20;
	[sflag:s22] =	ssyncset.done $0x0  }
0xa0: {  	[sflag:s22] =	ssyncadd.s32 s3;
	_ =	sdelay $0x1  }
0xa1: {  	s23 =	simm.s32 $0x1B8B  }
0xa2: {  	_ =	swait.ge [sflag:s23], $0x1  }
0xa3: {  	[sflag:s23] =	ssyncset.done $0x0  }
0xa4: {  	s25 =	simm.s32 $0x1B8E;
	s24 =	sld [smem:$0x3FFE];
	[sflag:s23] =	ssyncadd.s32 $0xFFFFFFFF  }
0xa5: {  	s26 =	simm.s32 $execute0_lowered;
	[smem:$0x3FD2] =	sst s25  }
0xa6: {  	s4 =	sshll.u32 s26, $0x1;
	_ =	strace $0x80000049;
	[dreg:$0x1] =	wrdreg $0xFFFFFFFF  }
0xa7: {  	s28 =	simm.s32 $_size_execute0_lowered;
	s2 =	sadd.s32 s2, s4;
	[dreg:$0x0] =	wrdreg $0x0  }
0xa8: {  	s4 =	sshll.u32 s28, $0x1;
	[dreg:$0x2] =	wrdreg s2  }
0xa9: {  	[dreg:$0x3] =	wrdreg s4  }
0xaa: {  	[dreg:$0x4] =	wrdreg $0xC0  }
0xab: {  	_ =	task [dreg:s6], $0x5FFFF  }
0xac: {  	[dreg:$0x1] =	wrdreg $0xFFFFFFFF  }
0xad: {  	[dreg:$0x0] =	wrdreg $0x60  }
0xae: {  	[dreg:$0x2] =	wrdreg s24  }
0xaf: {  	[dreg:$0x3] =	wrdreg $0x90000  }
0xb0: {  	[dreg:$0x4] =	wrdreg $0x9  }
0xb1: {  	_ =	task.clear_ibuf [dreg:s6], $0x5FFFF;
	_ =	strace $0x90000049  }
0xb2: {  	s29 =	simm.s32 $0x9;
	_ =	strace $0x8000004B  }
0xb3: {  	_ =	swait.ge [sflag:s29], $0x1  }
0xb4: {  	[sflag:s29] =	ssyncadd.s32 $0xFFFFFFFF  }
0xb5: {  	_ =	strace $0x9000004B  }
0xb6: {  	_ =	sfence  }
0xb7: {  	s30 =	sld [smem:$0x0];
	_ =	sdelay $0x2  }
0xb8: {  	s31 =	sshll.u32 s1, $0xD;
	s1 =	sshrl.u32 s1, $0x2  }
0xb9: {  	s3 =	sand.u32 $0x4000, s31;
	s1 =	sadd.s32 s1, s30  }
0xba: {  	s0 =	sor.u32 s3, s0;
	s1 =	sshll.u32 s1, $0x11  }
0xbb: {  	s0 =	sor.u32 s1, s0  }
0xbc: {  	s0 =	sadd.s32 $0x8F2B, s0  }
0xbd: {  	[sflag:s0] =	ssyncadd.remote.s32 $0x1  }
0xbe: {  	_ =	sfence.sel $0xFFFF  }
0xbf: {  	[dreg:$0x0] =	wrdreg $0xFFFFFFFF;
	(pc) =	sbr.abs _section_cstart, $3  }
0xc0: {  	[dreg:$0x1] =	wrdreg $0xFFFFFFFF  }
0xc1: {  	_ =	task.clear_ibuf [dreg:s6], $0x2FFFF;
	_ =	strace $0x9FFFFFFF  }
0xc2: {  	(tm) =	ssettm $0x7FFFFFFF  }
0xc3: {  	_ =	shalt  }
tec
execute0_lowered:
.L_overlay_start_1:
0x0: {  	(tag) =	ssettag $0x1  }
0x1: {  	s1 =	srdreg.scid  }
0x2: {  	s0 =	stileid.u32;
	s6 =	rddreg [dreg:$0x0]  }
0x3: {  	s2 =	rddreg [dreg:$0x1];
	s3 =	simm.s32 $0x0;
	s14 =	simm.s32 $0x80  }
0x4: {  	s15 =	simm.s32 $0x5000;
	s16 =	simm.s32 $0x1;
	s17 =	simm.s32 $0x0  }
0x5: {  	s5 =	sand.u32 $0x1, s1;
	s29 =	sshll.u32 s0, $0x1;
	s9 =	smul.u32 $0x14000, s0  }
0x6: {  	[smem:$0x7FF] =	sst s3;
	s4 =	sadd.s32 $0x12200, s6;
	s11 =	smul.u32 $0x50000, s0  }
0x7: {  	s12 =	sshll.u32 s0, $0x6;
	s1 =	sor.u32 s5, s29;
	s8 =	smul.u32 $0x140000, s5  }
0x8: {  	s30 =	ssub.s32 $0x2, s5;
	s5 =	sadd.s32 $0xFA00, s6;
	s12 =	sor.u32 $0x1C02, s12  }
0x9: {  	s7 =	smul.u32 $0x500, s1;
	s1 =	rddreg [dreg:$0x2];
	_ =	strace $0x8000004A  }
0xa: {  	s10 =	sshrl.u32 s30, $0x1;
	s31 =	sshrl.u32 s11, $0x2;
	s11 =	simm.s32 $0x2800  }
0xb: {  	s8 =	sadd.s32 s9, s8;
	s9 =	ssub.s32 s30, s10;
	s13 =	sadd.s32 s31, s2  }
0xc: {  	s10 =	simm.s32 $0x2;
	s7 =	sadd.s32 s7, s6;
	s8 =	sshrl.u32 s8, $0x3  }
0xd: {  	s9 =	smax.u32 s9, $0x1;
	s13 =	sshrl.u32 s13, $0x3;
	s8 =	sadd.s32 s8, s6  }
0xe: {  	s6 =	sadd.s32 $0x62A00, s7;
	s7 =	sadd.s32 $0x5A00, s7;
	s8 =	sadd.s32 $0x6CA00, s8  }
.LBB2_1:
0xf: {  	[tilespmem:s3], [sflag:$0x2] =	stream.linear.gather [hbm4b:s6+s3], $0x2800, $0x38;
	[tilespmem:$0x1D000] =	vst v63  }
0x10: {  	_ =	swait.ge [sflag:s10], $0x2800  }
0x11: {  	[sflag:s10] =	ssyncset.done $0x0  }
0x12: {  	[sflag:s10] =	ssyncadd.s32 $0xFFFFD800  }
0x13: {  	[tilespmem:s11], [sflag:$0x2] =	stream.linear.gather [hbm4b:s7+s3], $0x2800, $0x38;
	[tilespmem:$0x1D000] =	vst v63  }
0x14: {  	_ =	swait.ge [sflag:s10], $0x2800  }
0x15: {  	[sflag:s10] =	ssyncset.done $0x0  }
0x16: {  	[sflag:s10] =	ssyncadd.s32 $0xFFFFD800  }
0x17: {  	[spmem:s13], [sflag:s12] =	dma.local [hbm:s5], $0x2800  }
0x18: {  	_ =	swait.ge [sflag:s10], $0x2800  }
0x19: {  	[sflag:s10] =	ssyncset.done $0x0  }
0x1a: {  	[sflag:s10] =	ssyncadd.s32 $0xFFFFD800  }
0x1b: {  	s18 =	simm.s32 $0x0;
	[bflag:$0x0] =	sbarrier.arrive $0xFFFF  }
0x1c: {  	[tilespmem:s15], [sflag:$0x1] =	stream.indirect.gather [hbm4b:s4+s14], $0x80, s18, s14, $0xb8;
	[tilespmem:$0x1D000] =	vst v63  }
0x1d: {  	_ =	swait.ge [sflag:s16], $0x4000  }
0x1e: {  	[sflag:s16] =	ssyncset.done $0x0  }
0x1f: {  	s31 =	simm.s32 $0x2800;
	[sflag:s16] =	ssyncadd.s32 $0xFFFFC000  }
0x20: {  	[spmem:s2] =	stream.indirect.scatter.add.f32 [tilespmem:s15], [sflag:$0x2], $0x80, s31, s14, $0xb8;
	[tilespmem:$0x1D000] =	vst v63  }
0x21: {  	_ =	swait.ge [sflag:s10], $0x4000  }
0x22: {  	s19 =	simm.s32 $0x400;
	s18 =	simm.s32 $0x200;
	[sflag:s10] =	ssyncset.done $0x0  }
.LBB2_2:
0x23: {  	s20 =	sshra.s32 s18, $0x2  }
0x24: {  	[sflag:s10] =	ssyncadd.s32 $0xFFFFC000;
	s18 =	smov.u32 s19;
	s21 =	sadd.s32 $0x200, s19  }
0x25: {  	[tilespmem:s15], [sflag:$0x1] =	stream.indirect.gather [hbm4b:s4+s14], $0x80, s20, s14, $0xb8;
	[tilespmem:$0x1D000] =	vst v63  }
0x26: {  	p0 =	sne.s32 s19, $0x9E00;
	_ =	swait.ge [sflag:s16], $0x4000  }
.Ltmp0:
0x27: {  	[sflag:s16] =	ssyncset.done $0x0;
	(pc) =	sbr.rel @p0 .LBB2_2-.Ltmp0, $4  }
0x28: {  	s19 =	sadd.s32 $0x2800, s20;
	[sflag:s16] =	ssyncadd.s32 $0xFFFFC000  }
0x29: {  	[spmem:s2] =	stream.indirect.scatter.add.f32 [tilespmem:s15], [sflag:$0x2], $0x80, s19, s14, $0xb8;
	[tilespmem:$0x1D000] =	vst v63  }
0x2a: {  	_ =	swait.ge [sflag:s10], $0x4000  }
0x2b: {  	s19 =	smov.u32 s21;
	[sflag:s10] =	ssyncset.done $0x0  }
0x2c: {  	s18 =	sshra.s32 s18, $0x2;
	[sflag:s10] =	ssyncadd.s32 $0xFFFFC000  }
0x2d: {  	[tilespmem:s15], [sflag:$0x1] =	stream.indirect.gather [hbm4b:s4+s14], $0x80, s18, s14, $0xb8;
	[tilespmem:$0x1D000] =	vst v63  }
0x2e: {  	_ =	swait.ge [sflag:s16], $0x4000  }
0x2f: {  	[sflag:s16] =	ssyncset.done $0x0  }
0x30: {  	s18 =	sadd.s32 $0x2800, s18;
	[sflag:s16] =	ssyncadd.s32 $0xFFFFC000  }
0x31: {  	[spmem:s2] =	stream.indirect.scatter.add.f32 [tilespmem:s15], [sflag:$0x2], $0x80, s18, s14, $0xb8;
	[tilespmem:$0x1D000] =	vst v63  }
0x32: {  	_ =	swait.ge [sflag:s10], $0x4000  }
0x33: {  	s17 =	sadd.s32 $0x1, s17;
	[sflag:s10] =	ssyncset.done $0x0  }
0x34: {  	p0 =	sne.s32 s17, s9;
	[sflag:s10] =	ssyncadd.s32 $0xFFFFC000  }
.Ltmp1:
0x35: {  	[bflag:$0x0] =	sbarrier.arrive $0xFFFF;
	(pc) =	sbr.rel @p0 .LBB2_1-.Ltmp1, $4  }
0x36: {  	[hbm:s8], [sflag:s12] =	dma.local [spmem:s13], $0x2800  }
0x37: {  	_ =	swait.ge [sflag:s10], $0x2800  }
0x38: {  	[sflag:s10] =	ssyncset.done $0x0  }
0x39: {  	[sflag:s10] =	ssyncadd.s32 $0xFFFFD800  }
0x3a: {  	_ =	sfence.sel $0x180000  }
0x3b: {  	[bflag:$0x0] =	sbarrier.arrive $0xFFFF  }
0x3c: {  	p0 =	sne.s32 s0, $0x0;
	_ =	strace $0x9000004A  }
0x3d: {  	s0 =	sadd.s32 @!p0 $0x100000, s1;
	[bflag:$0x2] =	sbarrier.arrive $0xFFFF  }
0x3e: {  	[sflag:s0] =	ssyncadd.tile.s32 @!p0 $0x1;
	_ =	shalt  }
.Lfunc_end2:
_tile_overlayer_lowered:
.L_overlay_start_2:
0x3f: {  	(tag) =	ssettag $0x2  }
0x40: {  	s0 =	rddreg [dreg:$0x0];
	s2 =	stileid.u32  }
0x41: {  	s1 =	rddreg [dreg:$0x1];
	p0 =	sne.s32 s2, $0x0  }
0x42: {  	s3 =	rddreg [dreg:$0x2];
	[bflag:$0x3] =	sbarrier.arrive $0xFFFF;
	s2 =	simm.s32 @!p0 $0x1C02  }
0x43: {  	[timem:s3], [sflag:s2] =	dma.local @!p0 [hbm:s0], s1  }
0x44: {  	s0 =	simm.s32 @!p0 $0x2  }
0x45: {  	_ =	swait.ge @!p0 [sflag:s0], s1  }
0x46: {  	s1 =	ssub.s32 @!p0 $0x0, s1;
	[sflag:s0] =	ssyncset.done @!p0 $0x0  }
0x47: {  	[sflag:s0] =	ssyncadd.s32 @!p0 s1  }
0x48: {  	[bflag:$0x3] =	sbarrier.arrive $0xFFFF  }
0x49: {  	_ =	shalt  }

// kernel: kernel.18.cloned.1.call-start
scs
__scs_entry_jumppad:
0x0: {  	(pc) =	sbr.rel $0x88, $3  }
0x1: {  	(tag) =	ssettag $0x0;
	lr =	simm.s32 $0x1  }
0x2: {  	[smem:$0x3F89] =	sst lr;
	_ =	strace $0xD0000000  }
0x3: {  	_ = 	snop  }
0x4: {  	_ = 	snop  }
0x5: {  	_ = 	snop  }
0x6: {  	_ = 	snop  }
0x7: {  	_ = 	snop  }
__scs_overlays_trampoline_lowered:
0x8: {  	[smem:$0x3F98] =	sst s0  }
0x9: {  	[smem:$0x3F99] =	sst s1  }
0xa: {  	[smem:$0x3F9A] =	sst s2  }
0xb: {  	[smem:$0x3F9B] =	sst s3  }
0xc: {  	[smem:$0x3F9C] =	sst s4  }
0xd: {  	[smem:$0x3F9D] =	sst s5  }
0xe: {  	[smem:$0x3F9E] =	sst s6  }
0xf: {  	[smem:$0x3F9F] =	sst s7  }
0x10: {  	[smem:$0x3FA0] =	sst s8  }
0x11: {  	[smem:$0x3FA1] =	sst s9;
	s0 =	simm.s32 @!p0 $0x0  }
0x12: {  	s1 =	sld [smem:$0x3F87];
	s0 =	simm.s32 @p0 $0x1  }
0x13: {  	[smem:$0x3FA2] =	sst s0;
	s0 =	simm.s32 @!p1 $0x0  }
0x14: {  	s2 =	sld [smem:$0x3F86];
	s0 =	simm.s32 @p1 $0x1  }
0x15: {  	[smem:$0x3FA3] =	sst s0;
	s0 =	simm.s32 @!p2 $0x0  }
0x16: {  	s3 =	sld [smem:$0x3FDB];
	s0 =	simm.s32 @p2 $0x1  }
0x17: {  	s4 =	simm.s32 $0x1BF5;
	[smem:$0x3FA5] =	sst s0  }
0x18: {  	s0 =	sld [smem:$0x3F88];
	_ =	swait.ge [sflag:s4], $0x0  }
0x19: {  	s7 =	sld [smem:$0x3F89]  }
0x1a: {  	s8 =	sadd.s32 $0xFFFFE003, lr  }
0x1b: {  	s9 =	sadd.s32 $0xFFFFFEF7, lr;
	s5 =	simm.s32 $0xFFFFFFFF;
	p2 =	slt.u32 s8, $0xFFFFF086  }
0x1c: {  	p1 =	slt.u32 s9, $0xF7A;
	s5 =	simm.s32 @!p2 $0x0  }
0x1d: {  	s5 =	simm.s32 @p1 $0x1;
	p0 =	seq.s32 s7, s2  }
0x1e: {  	s7 =	smul.u32 @!p0 $0xF7A, s2;
	p2 =	seq.s32 @!p0 s5, $0x0  }
0x1f: {  	s9 =	smul.u32 $0xF7A, s1;
	s8 =	simm.s32 @!p0 $0x1BF5;
	p2 =	por !p2, p0  }
0x20: {  	[sflag:s8] =	ssyncset.s32 @!p0 $0xFFFFF086;
	s6 =	sadd.s32 @!p0 s3, s7;
	s7 =	simm.s32 @!p0 $0x108  }
0x21: {  	s3 =	sadd.s32 s3, s9;
	s6 =	sadd.s32 @!p0 $0x88, s6;
	s7 =	simm.s32 @p2 $0x1082  }
0x22: {  	[simem:s7], [sflag:s8] =	dma.local @!p0 [hbm:s6], $0xF7A  }
0x23: {  	s9 =	sor.u32 $0xD0000000, s2;
	s6 =	simm.s32 $0x108;
	_ =	swait.ge @!p0 [sflag:s8], $0x0  }
0x24: {  	s3 =	sadd.s32 $0x88, s3;
	s6 =	simm.s32 @!p1 $0x1082;
	[sflag:s4] =	ssyncset.s32 $0xFFFFF086  }
0x25: {  	[simem:s6], [sflag:s4] =	dma.local [hbm:s3], $0xF7A  }
0x26: {  	[smem:$0x3F89] =	sst s1;
	(tag) =	ssettag s2;
	_ =	strace s9  }
0x27: {  	s1 =	sld [smem:$0x3F99]  }
0x28: {  	s2 =	sld [smem:$0x3F9A]  }
0x29: {  	s4 =	sld [smem:$0x3F9C]  }
0x2a: {  	p0 =	seq.s32 s5, $0x0;
	s5 =	sld [smem:$0x3F9D]  }
0x2b: {  	s6 =	sld [smem:$0x3F9E]  }
0x2c: {  	s7 =	sld [smem:$0x3F9F]  }
0x2d: {  	s3 =	simm.s32 $0x108;
	s8 =	sld [smem:$0x3FA0]  }
0x2e: {  	s3 =	simm.s32 @!p0 $0x1082;
	s9 =	sld [smem:$0x3FA1]  }
0x2f: {  	lr =	sadd.s32 s0, s3;
	s0 =	sld [smem:$0x3F98]  }
0x30: {  	s3 =	sld [smem:$0x3F9B]  }
0x31: {  	[smem:$0x3FA4] =	sst s10  }
0x32: {  	s10 =	sld [smem:$0x3FA2];
	_ =	sdelay $0x3  }
0x33: {  	p0 =	seq.s32 s10, $0x1;
	s10 =	sld [smem:$0x3FA4];
	_ =	sdelay $0x3  }
0x34: {  	[smem:$0x3FA4] =	sst s10  }
0x35: {  	s10 =	sld [smem:$0x3FA3];
	_ =	sdelay $0x3  }
0x36: {  	p1 =	seq.s32 s10, $0x1;
	s10 =	sld [smem:$0x3FA4];
	_ =	sdelay $0x3  }
0x37: {  	[smem:$0x3FA4] =	sst s10  }
0x38: {  	s10 =	sld [smem:$0x3FA5]  }
0x39: {  	_ = 	snop;
	(pc) =	sbr.ind lr, $3  }
0x3a: {  	_ = 	snop  }
0x3b: {  	_ = 	snop  }
0x3c: {  	p2 =	seq.s32 s10, $0x1;
	s10 =	sld [smem:$0x3FA4]  }
0x3d: {  	_ =	shalt  }
0x3e: {  	_ =	shalt  }
0x3f: {  	_ =	shalt  }
0x40: {  	_ =	shalt  }
0x41: {  	_ =	shalt  }
0x42: {  	_ =	shalt  }
0x43: {  	_ =	shalt  }
0x44: {  	_ =	shalt  }
0x45: {  	_ =	shalt  }
0x46: {  	_ =	shalt  }
0x47: {  	_ =	shalt  }
0x48: {  	_ =	shalt  }
0x49: {  	_ =	shalt  }
0x4a: {  	_ =	shalt  }
0x4b: {  	_ =	shalt  }
0x4c: {  	_ =	shalt  }
0x4d: {  	_ =	shalt  }
0x4e: {  	_ =	shalt  }
0x4f: {  	_ =	shalt  }
0x50: {  	_ =	shalt  }
0x51: {  	_ =	shalt  }
0x52: {  	_ =	shalt  }
0x53: {  	_ =	shalt  }
0x54: {  	_ =	shalt  }
0x55: {  	_ =	shalt  }
0x56: {  	_ =	shalt  }
0x57: {  	_ =	shalt  }
0x58: {  	_ =	shalt  }
0x59: {  	_ =	shalt  }
0x5a: {  	_ =	shalt  }
0x5b: {  	_ =	shalt  }
0x5c: {  	_ =	shalt  }
0x5d: {  	_ =	shalt  }
0x5e: {  	_ =	shalt  }
0x5f: {  	_ =	shalt  }
0x60: {  	_ =	shalt  }
0x61: {  	_ =	shalt  }
0x62: {  	_ =	shalt  }
0x63: {  	_ =	shalt  }
0x64: {  	_ =	shalt  }
0x65: {  	_ =	shalt  }
0x66: {  	_ =	shalt  }
0x67: {  	_ =	shalt  }
0x68: {  	_ =	shalt  }
0x69: {  	_ =	shalt  }
0x6a: {  	_ =	shalt  }
0x6b: {  	_ =	shalt  }
0x6c: {  	_ =	shalt  }
0x6d: {  	_ =	shalt  }
0x6e: {  	_ =	shalt  }
0x6f: {  	_ =	shalt  }
0x70: {  	_ =	shalt  }
0x71: {  	_ =	shalt  }
0x72: {  	_ =	shalt  }
0x73: {  	_ =	shalt  }
0x74: {  	_ =	shalt  }
0x75: {  	_ =	shalt  }
0x76: {  	_ =	shalt  }
0x77: {  	_ =	shalt  }
0x78: {  	_ =	shalt  }
0x79: {  	_ =	shalt  }
0x7a: {  	_ =	shalt  }
0x7b: {  	_ =	shalt  }
0x7c: {  	_ =	shalt  }
0x7d: {  	_ =	shalt  }
0x7e: {  	_ =	shalt  }
0x7f: {  	_ =	shalt  }
0x80: {  	_ =	shalt  }
0x81: {  	_ =	shalt  }
0x82: {  	_ =	shalt  }
0x83: {  	_ =	shalt  }
0x84: {  	_ =	shalt  }
0x85: {  	_ =	shalt  }
0x86: {  	_ =	shalt  }
0x87: {  	_ =	shalt  }
.Lfunc_end0:
.L_simem_size_0:
called_computation.2_lowered:
.L_overlay_start_0:
0x88: {  	s2 =	sld [smem:$0x3FD9]  }
0x89: {  	s3 =	sld [smem:$0x3FFE];
	_ =	sdelay $0x1  }
0x8a: {  	s1 =	srdreg.scid  }
0x8b: {  	s0 =	sand.u32 $0x1, s1  }
0x8c: {  	s16 =	sshll.u32 s0, $0xA;
	s2 =	sadd.s32 s3, s2  }
0x8d: {  	s2 =	sadd.s32 s2, s16  }
0x8e: {  	[smem:$0x3FB0] =	sst s2  }
0x8f: {  	_ = 	snop  }
0x90: {  	(tm) =	ssettm $0x1  }
0x91: {  	s17 =	sld [smem:$0x3FFB];
	_ =	sdelay $0x3  }
0x92: {  	_ =	strace s17  }
0x93: {  	s2 =	sld [smem:$0x3FFC];
	_ =	sdelay $0x3  }
0x94: {  	_ =	strace s2  }
0x95: {  	s2 =	sld [smem:$0x3FFD];
	_ =	sdelay $0x3  }
0x96: {  	_ =	strace s2  }
0x97: {  	_ =	strace $0x8FFFFFFF  }
0x98: {  	s18 =	sld [smem:$0x3FDB];
	_ =	sdelay $0x1  }
0x99: {  	s19 =	simm.s32 $_scs_section_size  }
0x9a: {  	s4 =	simm.s32 $_size__tile_overlayer_lowered;
	s5 =	simm.s32 $_tile_overlayer_lowered  }
0x9b: {  	s22 =	simm.s32 $0x1BFF;
	s21 =	sshll.u32 s5, $0x1;
	s2 =	sadd.s32 s19, s18  }
0x9c: {  	s6 =	simm.s32 $0x0;
	s20 =	sshll.u32 s4, $0x1;
	s4 =	sadd.s32 s21, s2  }
0x9d: {  	[timem:s6], [sflag:s22] =	dma.local [hbm:s4], s20  }
0x9e: {  	_ =	swait.ge [sflag:s22], s20  }
0x9f: {  	s3 =	ssub.s32 $0x0, s20;
	[sflag:s22] =	ssyncset.done $0x0  }
0xa0: {  	[sflag:s22] =	ssyncadd.s32 s3;
	_ =	sdelay $0x1  }
0xa1: {  	s23 =	simm.s32 $0x1B8B  }
0xa2: {  	_ =	swait.ge [sflag:s23], $0x1  }
0xa3: {  	[sflag:s23] =	ssyncset.done $0x0  }
0xa4: {  	s25 =	simm.s32 $0x1B8E;
	s24 =	sld [smem:$0x3FFE];
	[sflag:s23] =	ssyncadd.s32 $0xFFFFFFFF  }
0xa5: {  	s26 =	simm.s32 $execute0_lowered;
	[smem:$0x3FD2] =	sst s25  }
0xa6: {  	s4 =	sshll.u32 s26, $0x1;
	_ =	strace $0x8000004C;
	[dreg:$0x1] =	wrdreg $0xFFFFFFFF  }
0xa7: {  	s28 =	simm.s32 $_size_execute0_lowered;
	s2 =	sadd.s32 s2, s4;
	[dreg:$0x0] =	wrdreg $0x0  }
0xa8: {  	s4 =	sshll.u32 s28, $0x1;
	[dreg:$0x2] =	wrdreg s2  }
0xa9: {  	[dreg:$0x3] =	wrdreg s4  }
0xaa: {  	[dreg:$0x4] =	wrdreg $0xC0  }
0xab: {  	_ =	task [dreg:s6], $0x5FFFF  }
0xac: {  	[dreg:$0x1] =	wrdreg $0xFFFFFFFF  }
0xad: {  	[dreg:$0x0] =	wrdreg $0x60  }
0xae: {  	[dreg:$0x2] =	wrdreg s24  }
0xaf: {  	[dreg:$0x3] =	wrdreg $0x90000  }
0xb0: {  	[dreg:$0x4] =	wrdreg $0x9  }
0xb1: {  	_ =	task.clear_ibuf [dreg:s6], $0x5FFFF;
	_ =	strace $0x9000004C  }
0xb2: {  	s29 =	simm.s32 $0x9;
	_ =	strace $0x8000004E  }
0xb3: {  	_ =	swait.ge [sflag:s29], $0x1  }
0xb4: {  	[sflag:s29] =	ssyncadd.s32 $0xFFFFFFFF  }
0xb5: {  	_ =	strace $0x9000004E  }
0xb6: {  	_ =	sfence  }
0xb7: {  	s30 =	sld [smem:$0x0];
	_ =	sdelay $0x2  }
0xb8: {  	s31 =	sshll.u32 s1, $0xD;
	s1 =	sshrl.u32 s1, $0x2  }
0xb9: {  	s3 =	sand.u32 $0x4000, s31;
	s1 =	sadd.s32 s1, s30  }
0xba: {  	s0 =	sor.u32 s3, s0;
	s1 =	sshll.u32 s1, $0x11  }
0xbb: {  	s0 =	sor.u32 s1, s0  }
0xbc: {  	s0 =	sadd.s32 $0x8F2B, s0  }
0xbd: {  	[sflag:s0] =	ssyncadd.remote.s32 $0x1  }
0xbe: {  	_ =	sfence.sel $0xFFFF  }
0xbf: {  	[dreg:$0x0] =	wrdreg $0xFFFFFFFF;
	(pc) =	sbr.abs _section_cstart, $3  }
0xc0: {  	[dreg:$0x1] =	wrdreg $0xFFFFFFFF  }
0xc1: {  	_ =	task.clear_ibuf [dreg:s6], $0x2FFFF;
	_ =	strace $0x9FFFFFFF  }
0xc2: {  	(tm) =	ssettm $0x7FFFFFFF  }
0xc3: {  	_ =	shalt  }
tec
execute0_lowered:
.L_overlay_start_1:
0x0: {  	(tag) =	ssettag $0x1  }
0x1: {  	s1 =	srdreg.scid  }
0x2: {  	s0 =	stileid.u32;
	s6 =	rddreg [dreg:$0x0]  }
0x3: {  	s2 =	rddreg [dreg:$0x1];
	s3 =	simm.s32 $0x0;
	s14 =	simm.s32 $0x80  }
0x4: {  	s15 =	simm.s32 $0x5000;
	s16 =	simm.s32 $0x1;
	s17 =	simm.s32 $0x0  }
0x5: {  	s5 =	sand.u32 $0x1, s1;
	s29 =	sshll.u32 s0, $0x1;
	s9 =	smul.u32 $0x14000, s0  }
0x6: {  	[smem:$0x7FF] =	sst s3;
	s4 =	sadd.s32 $0x12200, s6;
	s11 =	smul.u32 $0x50000, s0  }
0x7: {  	s12 =	sshll.u32 s0, $0x6;
	s1 =	sor.u32 s5, s29;
	s8 =	smul.u32 $0x140000, s5  }
0x8: {  	s30 =	ssub.s32 $0x2, s5;
	s5 =	sadd.s32 $0xFA00, s6;
	s12 =	sor.u32 $0x1C02, s12  }
0x9: {  	s7 =	smul.u32 $0x500, s1;
	s1 =	rddreg [dreg:$0x2];
	_ =	strace $0x8000004D  }
0xa: {  	s10 =	sshrl.u32 s30, $0x1;
	s31 =	sshrl.u32 s11, $0x2;
	s11 =	simm.s32 $0x2800  }
0xb: {  	s8 =	sadd.s32 s9, s8;
	s9 =	ssub.s32 s30, s10;
	s13 =	sadd.s32 s31, s2  }
0xc: {  	s10 =	simm.s32 $0x2;
	s7 =	sadd.s32 s7, s6;
	s8 =	sshrl.u32 s8, $0x3  }
0xd: {  	s9 =	smax.u32 s9, $0x1;
	s13 =	sshrl.u32 s13, $0x3;
	s8 =	sadd.s32 s8, s6  }
0xe: {  	s6 =	sadd.s32 $0x62A00, s7;
	s7 =	sadd.s32 $0x5A00, s7;
	s8 =	sadd.s32 $0x6CA00, s8  }
.LBB2_1:
0xf: {  	[tilespmem:s3], [sflag:$0x2] =	stream.linear.gather [hbm4b:s6+s3], $0x2800, $0x38;
	[tilespmem:$0x1D000] =	vst v63  }
0x10: {  	_ =	swait.ge [sflag:s10], $0x2800  }
0x11: {  	[sflag:s10] =	ssyncset.done $0x0  }
0x12: {  	[sflag:s10] =	ssyncadd.s32 $0xFFFFD800  }
0x13: {  	[tilespmem:s11], [sflag:$0x2] =	stream.linear.gather [hbm4b:s7+s3], $0x2800, $0x38;
	[tilespmem:$0x1D000] =	vst v63  }
0x14: {  	_ =	swait.ge [sflag:s10], $0x2800  }
0x15: {  	[sflag:s10] =	ssyncset.done $0x0  }
0x16: {  	[sflag:s10] =	ssyncadd.s32 $0xFFFFD800  }
0x17: {  	[spmem:s13], [sflag:s12] =	dma.local [hbm:s5], $0x2800  }
0x18: {  	_ =	swait.ge [sflag:s10], $0x2800  }
0x19: {  	[sflag:s10] =	ssyncset.done $0x0  }
0x1a: {  	[sflag:s10] =	ssyncadd.s32 $0xFFFFD800  }
0x1b: {  	s18 =	simm.s32 $0x0;
	[bflag:$0x0] =	sbarrier.arrive $0xFFFF  }
0x1c: {  	[tilespmem:s15], [sflag:$0x1] =	stream.indirect.gather [hbm4b:s4+s14], $0x80, s18, s14, $0xb8;
	[tilespmem:$0x1D000] =	vst v63  }
0x1d: {  	_ =	swait.ge [sflag:s16], $0x4000  }
0x1e: {  	[sflag:s16] =	ssyncset.done $0x0  }
0x1f: {  	s31 =	simm.s32 $0x2800;
	[sflag:s16] =	ssyncadd.s32 $0xFFFFC000  }
0x20: {  	[spmem:s2] =	stream.indirect.scatter.add.f32 [tilespmem:s15], [sflag:$0x2], $0x80, s31, s14, $0xb8;
	[tilespmem:$0x1D000] =	vst v63  }
0x21: {  	_ =	swait.ge [sflag:s10], $0x4000  }
0x22: {  	s19 =	simm.s32 $0x400;
	s18 =	simm.s32 $0x200;
	[sflag:s10] =	ssyncset.done $0x0  }
.LBB2_2:
0x23: {  	s20 =	sshra.s32 s18, $0x2  }
0x24: {  	[sflag:s10] =	ssyncadd.s32 $0xFFFFC000;
	s18 =	smov.u32 s19;
	s21 =	sadd.s32 $0x200, s19  }
0x25: {  	[tilespmem:s15], [sflag:$0x1] =	stream.indirect.gather [hbm4b:s4+s14], $0x80, s20, s14, $0xb8;
	[tilespmem:$0x1D000] =	vst v63  }
0x26: {  	p0 =	sne.s32 s19, $0x9E00;
	_ =	swait.ge [sflag:s16], $0x4000  }
.Ltmp0:
0x27: {  	[sflag:s16] =	ssyncset.done $0x0;
	(pc) =	sbr.rel @p0 .LBB2_2-.Ltmp0, $4  }
0x28: {  	s19 =	sadd.s32 $0x2800, s20;
	[sflag:s16] =	ssyncadd.s32 $0xFFFFC000  }
0x29: {  	[spmem:s2] =	stream.indirect.scatter.add.f32 [tilespmem:s15], [sflag:$0x2], $0x80, s19, s14, $0xb8;
	[tilespmem:$0x1D000] =	vst v63  }
0x2a: {  	_ =	swait.ge [sflag:s10], $0x4000  }
0x2b: {  	s19 =	smov.u32 s21;
	[sflag:s10] =	ssyncset.done $0x0  }
0x2c: {  	s18 =	sshra.s32 s18, $0x2;
	[sflag:s10] =	ssyncadd.s32 $0xFFFFC000  }
0x2d: {  	[tilespmem:s15], [sflag:$0x1] =	stream.indirect.gather [hbm4b:s4+s14], $0x80, s18, s14, $0xb8;
	[tilespmem:$0x1D000] =	vst v63  }
0x2e: {  	_ =	swait.ge [sflag:s16], $0x4000  }
0x2f: {  	[sflag:s16] =	ssyncset.done $0x0  }
0x30: {  	s18 =	sadd.s32 $0x2800, s18;
	[sflag:s16] =	ssyncadd.s32 $0xFFFFC000  }
0x31: {  	[spmem:s2] =	stream.indirect.scatter.add.f32 [tilespmem:s15], [sflag:$0x2], $0x80, s18, s14, $0xb8;
	[tilespmem:$0x1D000] =	vst v63  }
0x32: {  	_ =	swait.ge [sflag:s10], $0x4000  }
0x33: {  	s17 =	sadd.s32 $0x1, s17;
	[sflag:s10] =	ssyncset.done $0x0  }
0x34: {  	p0 =	sne.s32 s17, s9;
	[sflag:s10] =	ssyncadd.s32 $0xFFFFC000  }
.Ltmp1:
0x35: {  	[bflag:$0x0] =	sbarrier.arrive $0xFFFF;
	(pc) =	sbr.rel @p0 .LBB2_1-.Ltmp1, $4  }
0x36: {  	[hbm:s8], [sflag:s12] =	dma.local [spmem:s13], $0x2800  }
0x37: {  	_ =	swait.ge [sflag:s10], $0x2800  }
0x38: {  	[sflag:s10] =	ssyncset.done $0x0  }
0x39: {  	[sflag:s10] =	ssyncadd.s32 $0xFFFFD800  }
0x3a: {  	_ =	sfence.sel $0x180000  }
0x3b: {  	[bflag:$0x0] =	sbarrier.arrive $0xFFFF  }
0x3c: {  	p0 =	sne.s32 s0, $0x0;
	_ =	strace $0x9000004D  }
0x3d: {  	s0 =	sadd.s32 @!p0 $0x100000, s1;
	[bflag:$0x2] =	sbarrier.arrive $0xFFFF  }
0x3e: {  	[sflag:s0] =	ssyncadd.tile.s32 @!p0 $0x1;
	_ =	shalt  }
.Lfunc_end2:
_tile_overlayer_lowered:
.L_overlay_start_2:
0x3f: {  	(tag) =	ssettag $0x2  }
0x40: {  	s0 =	rddreg [dreg:$0x0];
	s2 =	stileid.u32  }
0x41: {  	s1 =	rddreg [dreg:$0x1];
	p0 =	sne.s32 s2, $0x0  }
0x42: {  	s3 =	rddreg [dreg:$0x2];
	[bflag:$0x3] =	sbarrier.arrive $0xFFFF;
	s2 =	simm.s32 @!p0 $0x1C02  }
0x43: {  	[timem:s3], [sflag:s2] =	dma.local @!p0 [hbm:s0], s1  }
0x44: {  	s0 =	simm.s32 @!p0 $0x2  }
0x45: {  	_ =	swait.ge @!p0 [sflag:s0], s1  }
0x46: {  	s1 =	ssub.s32 @!p0 $0x0, s1;
	[sflag:s0] =	ssyncset.done @!p0 $0x0  }
0x47: {  	[sflag:s0] =	ssyncadd.s32 @!p0 s1  }
0x48: {  	[bflag:$0x3] =	sbarrier.arrive $0xFFFF  }
0x49: {  	_ =	shalt  }

// kernel: kernel.21.cloned.1.call-start
scs
__scs_entry_jumppad:
0x0: {  	(pc) =	sbr.rel $0x88, $3  }
0x1: {  	(tag) =	ssettag $0x0;
	lr =	simm.s32 $0x1  }
0x2: {  	[smem:$0x3F89] =	sst lr;
	_ =	strace $0xD0000000  }
0x3: {  	_ = 	snop  }
0x4: {  	_ = 	snop  }
0x5: {  	_ = 	snop  }
0x6: {  	_ = 	snop  }
0x7: {  	_ = 	snop  }
__scs_overlays_trampoline_lowered:
0x8: {  	[smem:$0x3F98] =	sst s0  }
0x9: {  	[smem:$0x3F99] =	sst s1  }
0xa: {  	[smem:$0x3F9A] =	sst s2  }
0xb: {  	[smem:$0x3F9B] =	sst s3  }
0xc: {  	[smem:$0x3F9C] =	sst s4  }
0xd: {  	[smem:$0x3F9D] =	sst s5  }
0xe: {  	[smem:$0x3F9E] =	sst s6  }
0xf: {  	[smem:$0x3F9F] =	sst s7  }
0x10: {  	[smem:$0x3FA0] =	sst s8  }
0x11: {  	[smem:$0x3FA1] =	sst s9;
	s0 =	simm.s32 @!p0 $0x0  }
0x12: {  	s1 =	sld [smem:$0x3F87];
	s0 =	simm.s32 @p0 $0x1  }
0x13: {  	[smem:$0x3FA2] =	sst s0;
	s0 =	simm.s32 @!p1 $0x0  }
0x14: {  	s2 =	sld [smem:$0x3F86];
	s0 =	simm.s32 @p1 $0x1  }
0x15: {  	[smem:$0x3FA3] =	sst s0;
	s0 =	simm.s32 @!p2 $0x0  }
0x16: {  	s3 =	sld [smem:$0x3FDB];
	s0 =	simm.s32 @p2 $0x1  }
0x17: {  	s4 =	simm.s32 $0x1BF5;
	[smem:$0x3FA5] =	sst s0  }
0x18: {  	s0 =	sld [smem:$0x3F88];
	_ =	swait.ge [sflag:s4], $0x0  }
0x19: {  	s7 =	sld [smem:$0x3F89]  }
0x1a: {  	s8 =	sadd.s32 $0xFFFFE003, lr  }
0x1b: {  	s9 =	sadd.s32 $0xFFFFFEF7, lr;
	s5 =	simm.s32 $0xFFFFFFFF;
	p2 =	slt.u32 s8, $0xFFFFF086  }
0x1c: {  	p1 =	slt.u32 s9, $0xF7A;
	s5 =	simm.s32 @!p2 $0x0  }
0x1d: {  	s5 =	simm.s32 @p1 $0x1;
	p0 =	seq.s32 s7, s2  }
0x1e: {  	s7 =	smul.u32 @!p0 $0xF7A, s2;
	p2 =	seq.s32 @!p0 s5, $0x0  }
0x1f: {  	s9 =	smul.u32 $0xF7A, s1;
	s8 =	simm.s32 @!p0 $0x1BF5;
	p2 =	por !p2, p0  }
0x20: {  	[sflag:s8] =	ssyncset.s32 @!p0 $0xFFFFF086;
	s6 =	sadd.s32 @!p0 s3, s7;
	s7 =	simm.s32 @!p0 $0x108  }
0x21: {  	s3 =	sadd.s32 s3, s9;
	s6 =	sadd.s32 @!p0 $0x88, s6;
	s7 =	simm.s32 @p2 $0x1082  }
0x22: {  	[simem:s7], [sflag:s8] =	dma.local @!p0 [hbm:s6], $0xF7A  }
0x23: {  	s9 =	sor.u32 $0xD0000000, s2;
	s6 =	simm.s32 $0x108;
	_ =	swait.ge @!p0 [sflag:s8], $0x0  }
0x24: {  	s3 =	sadd.s32 $0x88, s3;
	s6 =	simm.s32 @!p1 $0x1082;
	[sflag:s4] =	ssyncset.s32 $0xFFFFF086  }
0x25: {  	[simem:s6], [sflag:s4] =	dma.local [hbm:s3], $0xF7A  }
0x26: {  	[smem:$0x3F89] =	sst s1;
	(tag) =	ssettag s2;
	_ =	strace s9  }
0x27: {  	s1 =	sld [smem:$0x3F99]  }
0x28: {  	s2 =	sld [smem:$0x3F9A]  }
0x29: {  	s4 =	sld [smem:$0x3F9C]  }
0x2a: {  	p0 =	seq.s32 s5, $0x0;
	s5 =	sld [smem:$0x3F9D]  }
0x2b: {  	s6 =	sld [smem:$0x3F9E]  }
0x2c: {  	s7 =	sld [smem:$0x3F9F]  }
0x2d: {  	s3 =	simm.s32 $0x108;
	s8 =	sld [smem:$0x3FA0]  }
0x2e: {  	s3 =	simm.s32 @!p0 $0x1082;
	s9 =	sld [smem:$0x3FA1]  }
0x2f: {  	lr =	sadd.s32 s0, s3;
	s0 =	sld [smem:$0x3F98]  }
0x30: {  	s3 =	sld [smem:$0x3F9B]  }
0x31: {  	[smem:$0x3FA4] =	sst s10  }
0x32: {  	s10 =	sld [smem:$0x3FA2];
	_ =	sdelay $0x3  }
0x33: {  	p0 =	seq.s32 s10, $0x1;
	s10 =	sld [smem:$0x3FA4];
	_ =	sdelay $0x3  }
0x34: {  	[smem:$0x3FA4] =	sst s10  }
0x35: {  	s10 =	sld [smem:$0x3FA3];
	_ =	sdelay $0x3  }
0x36: {  	p1 =	seq.s32 s10, $0x1;
	s10 =	sld [smem:$0x3FA4];
	_ =	sdelay $0x3  }
0x37: {  	[smem:$0x3FA4] =	sst s10  }
0x38: {  	s10 =	sld [smem:$0x3FA5]  }
0x39: {  	_ = 	snop;
	(pc) =	sbr.ind lr, $3  }
0x3a: {  	_ = 	snop  }
0x3b: {  	_ = 	snop  }
0x3c: {  	p2 =	seq.s32 s10, $0x1;
	s10 =	sld [smem:$0x3FA4]  }
0x3d: {  	_ =	shalt  }
0x3e: {  	_ =	shalt  }
0x3f: {  	_ =	shalt  }
0x40: {  	_ =	shalt  }
0x41: {  	_ =	shalt  }
0x42: {  	_ =	shalt  }
0x43: {  	_ =	shalt  }
0x44: {  	_ =	shalt  }
0x45: {  	_ =	shalt  }
0x46: {  	_ =	shalt  }
0x47: {  	_ =	shalt  }
0x48: {  	_ =	shalt  }
0x49: {  	_ =	shalt  }
0x4a: {  	_ =	shalt  }
0x4b: {  	_ =	shalt  }
0x4c: {  	_ =	shalt  }
0x4d: {  	_ =	shalt  }
0x4e: {  	_ =	shalt  }
0x4f: {  	_ =	shalt  }
0x50: {  	_ =	shalt  }
0x51: {  	_ =	shalt  }
0x52: {  	_ =	shalt  }
0x53: {  	_ =	shalt  }
0x54: {  	_ =	shalt  }
0x55: {  	_ =	shalt  }
0x56: {  	_ =	shalt  }
0x57: {  	_ =	shalt  }
0x58: {  	_ =	shalt  }
0x59: {  	_ =	shalt  }
0x5a: {  	_ =	shalt  }
0x5b: {  	_ =	shalt  }
0x5c: {  	_ =	shalt  }
0x5d: {  	_ =	shalt  }
0x5e: {  	_ =	shalt  }
0x5f: {  	_ =	shalt  }
0x60: {  	_ =	shalt  }
0x61: {  	_ =	shalt  }
0x62: {  	_ =	shalt  }
0x63: {  	_ =	shalt  }
0x64: {  	_ =	shalt  }
0x65: {  	_ =	shalt  }
0x66: {  	_ =	shalt  }
0x67: {  	_ =	shalt  }
0x68: {  	_ =	shalt  }
0x69: {  	_ =	shalt  }
0x6a: {  	_ =	shalt  }
0x6b: {  	_ =	shalt  }
0x6c: {  	_ =	shalt  }
0x6d: {  	_ =	shalt  }
0x6e: {  	_ =	shalt  }
0x6f: {  	_ =	shalt  }
0x70: {  	_ =	shalt  }
0x71: {  	_ =	shalt  }
0x72: {  	_ =	shalt  }
0x73: {  	_ =	shalt  }
0x74: {  	_ =	shalt  }
0x75: {  	_ =	shalt  }
0x76: {  	_ =	shalt  }
0x77: {  	_ =	shalt  }
0x78: {  	_ =	shalt  }
0x79: {  	_ =	shalt  }
0x7a: {  	_ =	shalt  }
0x7b: {  	_ =	shalt  }
0x7c: {  	_ =	shalt  }
0x7d: {  	_ =	shalt  }
0x7e: {  	_ =	shalt  }
0x7f: {  	_ =	shalt  }
0x80: {  	_ =	shalt  }
0x81: {  	_ =	shalt  }
0x82: {  	_ =	shalt  }
0x83: {  	_ =	shalt  }
0x84: {  	_ =	shalt  }
0x85: {  	_ =	shalt  }
0x86: {  	_ =	shalt  }
0x87: {  	_ =	shalt  }
.Lfunc_end0:
.L_simem_size_0:
called_computation.3_lowered:
.L_overlay_start_0:
0x88: {  	s2 =	sld [smem:$0x3FD9]  }
0x89: {  	s3 =	sld [smem:$0x3FFE];
	_ =	sdelay $0x1  }
0x8a: {  	s1 =	srdreg.scid  }
0x8b: {  	s0 =	sand.u32 $0x1, s1  }
0x8c: {  	s16 =	sshll.u32 s0, $0xA;
	s2 =	sadd.s32 s3, s2  }
0x8d: {  	s2 =	sadd.s32 s2, s16  }
0x8e: {  	[smem:$0x3FB0] =	sst s2  }
0x8f: {  	_ = 	snop  }
0x90: {  	(tm) =	ssettm $0x1  }
0x91: {  	s17 =	sld [smem:$0x3FFB];
	_ =	sdelay $0x3  }
0x92: {  	_ =	strace s17  }
0x93: {  	s2 =	sld [smem:$0x3FFC];
	_ =	sdelay $0x3  }
0x94: {  	_ =	strace s2  }
0x95: {  	s2 =	sld [smem:$0x3FFD];
	_ =	sdelay $0x3  }
0x96: {  	_ =	strace s2  }
0x97: {  	_ =	strace $0x8FFFFFFF  }
0x98: {  	s18 =	sld [smem:$0x3FDB];
	_ =	sdelay $0x1  }
0x99: {  	s19 =	simm.s32 $_scs_section_size  }
0x9a: {  	s4 =	simm.s32 $_size__tile_overlayer_lowered;
	s5 =	simm.s32 $_tile_overlayer_lowered  }
0x9b: {  	s22 =	simm.s32 $0x1BFF;
	s21 =	sshll.u32 s5, $0x1;
	s2 =	sadd.s32 s19, s18  }
0x9c: {  	s6 =	simm.s32 $0x0;
	s20 =	sshll.u32 s4, $0x1;
	s4 =	sadd.s32 s21, s2  }
0x9d: {  	[timem:s6], [sflag:s22] =	dma.local [hbm:s4], s20  }
0x9e: {  	_ =	swait.ge [sflag:s22], s20  }
0x9f: {  	s3 =	ssub.s32 $0x0, s20;
	[sflag:s22] =	ssyncset.done $0x0  }
0xa0: {  	[sflag:s22] =	ssyncadd.s32 s3;
	_ =	sdelay $0x1  }
0xa1: {  	s23 =	simm.s32 $0x1B8B  }
0xa2: {  	_ =	swait.ge [sflag:s23], $0x1  }
0xa3: {  	[sflag:s23] =	ssyncset.done $0x0  }
0xa4: {  	s25 =	simm.s32 $0x1B8E;
	s24 =	sld [smem:$0x3FFE];
	[sflag:s23] =	ssyncadd.s32 $0xFFFFFFFF  }
0xa5: {  	s26 =	simm.s32 $execute0_lowered;
	[smem:$0x3FD2] =	sst s25  }
0xa6: {  	s4 =	sshll.u32 s26, $0x1;
	_ =	strace $0x8000004F;
	[dreg:$0x1] =	wrdreg $0xFFFFFFFF  }
0xa7: {  	s28 =	simm.s32 $_size_execute0_lowered;
	s2 =	sadd.s32 s2, s4;
	[dreg:$0x0] =	wrdreg $0x0  }
0xa8: {  	s4 =	sshll.u32 s28, $0x1;
	[dreg:$0x2] =	wrdreg s2  }
0xa9: {  	[dreg:$0x3] =	wrdreg s4  }
0xaa: {  	[dreg:$0x4] =	wrdreg $0xC0  }
0xab: {  	_ =	task [dreg:s6], $0x5FFFF  }
0xac: {  	[dreg:$0x1] =	wrdreg $0xFFFFFFFF  }
0xad: {  	[dreg:$0x0] =	wrdreg $0x60  }
0xae: {  	[dreg:$0x2] =	wrdreg s24  }
0xaf: {  	[dreg:$0x3] =	wrdreg $0x90000  }
0xb0: {  	[dreg:$0x4] =	wrdreg $0x9  }
0xb1: {  	_ =	task.clear_ibuf [dreg:s6], $0x5FFFF;
	_ =	strace $0x9000004F  }
0xb2: {  	s29 =	simm.s32 $0x9;
	_ =	strace $0x80000051  }
0xb3: {  	_ =	swait.ge [sflag:s29], $0x1  }
0xb4: {  	[sflag:s29] =	ssyncadd.s32 $0xFFFFFFFF  }
0xb5: {  	_ =	strace $0x90000051  }
0xb6: {  	_ =	sfence  }
0xb7: {  	s30 =	sld [smem:$0x0];
	_ =	sdelay $0x2  }
0xb8: {  	s31 =	sshll.u32 s1, $0xD;
	s1 =	sshrl.u32 s1, $0x2  }
0xb9: {  	s3 =	sand.u32 $0x4000, s31;
	s1 =	sadd.s32 s1, s30  }
0xba: {  	s0 =	sor.u32 s3, s0;
	s1 =	sshll.u32 s1, $0x11  }
0xbb: {  	s0 =	sor.u32 s1, s0  }
0xbc: {  	s0 =	sadd.s32 $0x8F2B, s0  }
0xbd: {  	[sflag:s0] =	ssyncadd.remote.s32 $0x1  }
0xbe: {  	_ =	sfence.sel $0xFFFF  }
0xbf: {  	[dreg:$0x0] =	wrdreg $0xFFFFFFFF;
	(pc) =	sbr.abs _section_cstart, $3  }
0xc0: {  	[dreg:$0x1] =	wrdreg $0xFFFFFFFF  }
0xc1: {  	_ =	task.clear_ibuf [dreg:s6], $0x2FFFF;
	_ =	strace $0x9FFFFFFF  }
0xc2: {  	(tm) =	ssettm $0x7FFFFFFF  }
0xc3: {  	_ =	shalt  }
tec
execute0_lowered:
.L_overlay_start_1:
0x0: {  	(tag) =	ssettag $0x1  }
0x1: {  	s1 =	srdreg.scid  }
0x2: {  	s0 =	stileid.u32;
	s6 =	rddreg [dreg:$0x0]  }
0x3: {  	s2 =	rddreg [dreg:$0x1];
	s3 =	simm.s32 $0x0;
	s14 =	simm.s32 $0x80  }
0x4: {  	s15 =	simm.s32 $0x5000;
	s16 =	simm.s32 $0x1;
	s17 =	simm.s32 $0x0  }
0x5: {  	s5 =	sand.u32 $0x1, s1;
	s29 =	sshll.u32 s0, $0x1;
	s9 =	smul.u32 $0x14000, s0  }
0x6: {  	[smem:$0x7FF] =	sst s3;
	s4 =	sadd.s32 $0x12200, s6;
	s11 =	smul.u32 $0x50000, s0  }
0x7: {  	s12 =	sshll.u32 s0, $0x6;
	s1 =	sor.u32 s5, s29;
	s8 =	smul.u32 $0x140000, s5  }
0x8: {  	s30 =	ssub.s32 $0x2, s5;
	s5 =	sadd.s32 $0xFA00, s6;
	s12 =	sor.u32 $0x1C02, s12  }
0x9: {  	s7 =	smul.u32 $0x500, s1;
	s1 =	rddreg [dreg:$0x2];
	_ =	strace $0x80000050  }
0xa: {  	s10 =	sshrl.u32 s30, $0x1;
	s31 =	sshrl.u32 s11, $0x2;
	s11 =	simm.s32 $0x2800  }
0xb: {  	s8 =	sadd.s32 s9, s8;
	s9 =	ssub.s32 s30, s10;
	s13 =	sadd.s32 s31, s2  }
0xc: {  	s10 =	simm.s32 $0x2;
	s7 =	sadd.s32 s7, s6;
	s8 =	sshrl.u32 s8, $0x3  }
0xd: {  	s9 =	smax.u32 s9, $0x1;
	s13 =	sshrl.u32 s13, $0x3;
	s8 =	sadd.s32 s8, s6  }
0xe: {  	s6 =	sadd.s32 $0x62A00, s7;
	s7 =	sadd.s32 $0x5A00, s7;
	s8 =	sadd.s32 $0x6CA00, s8  }
.LBB2_1:
0xf: {  	[tilespmem:s3], [sflag:$0x2] =	stream.linear.gather [hbm4b:s6+s3], $0x2800, $0x38;
	[tilespmem:$0x1D000] =	vst v63  }
0x10: {  	_ =	swait.ge [sflag:s10], $0x2800  }
0x11: {  	[sflag:s10] =	ssyncset.done $0x0  }
0x12: {  	[sflag:s10] =	ssyncadd.s32 $0xFFFFD800  }
0x13: {  	[tilespmem:s11], [sflag:$0x2] =	stream.linear.gather [hbm4b:s7+s3], $0x2800, $0x38;
	[tilespmem:$0x1D000] =	vst v63  }
0x14: {  	_ =	swait.ge [sflag:s10], $0x2800  }
0x15: {  	[sflag:s10] =	ssyncset.done $0x0  }
0x16: {  	[sflag:s10] =	ssyncadd.s32 $0xFFFFD800  }
0x17: {  	[spmem:s13], [sflag:s12] =	dma.local [hbm:s5], $0x2800  }
0x18: {  	_ =	swait.ge [sflag:s10], $0x2800  }
0x19: {  	[sflag:s10] =	ssyncset.done $0x0  }
0x1a: {  	[sflag:s10] =	ssyncadd.s32 $0xFFFFD800  }
0x1b: {  	s18 =	simm.s32 $0x0;
	[bflag:$0x0] =	sbarrier.arrive $0xFFFF  }
0x1c: {  	[tilespmem:s15], [sflag:$0x1] =	stream.indirect.gather [hbm4b:s4+s14], $0x80, s18, s14, $0xb8;
	[tilespmem:$0x1D000] =	vst v63  }
0x1d: {  	_ =	swait.ge [sflag:s16], $0x4000  }
0x1e: {  	[sflag:s16] =	ssyncset.done $0x0  }
0x1f: {  	s31 =	simm.s32 $0x2800;
	[sflag:s16] =	ssyncadd.s32 $0xFFFFC000  }
0x20: {  	[spmem:s2] =	stream.indirect.scatter.add.f32 [tilespmem:s15], [sflag:$0x2], $0x80, s31, s14, $0xb8;
	[tilespmem:$0x1D000] =	vst v63  }
0x21: {  	_ =	swait.ge [sflag:s10], $0x4000  }
0x22: {  	s19 =	simm.s32 $0x400;
	s18 =	simm.s32 $0x200;
	[sflag:s10] =	ssyncset.done $0x0  }
.LBB2_2:
0x23: {  	s20 =	sshra.s32 s18, $0x2  }
0x24: {  	[sflag:s10] =	ssyncadd.s32 $0xFFFFC000;
	s18 =	smov.u32 s19;
	s21 =	sadd.s32 $0x200, s19  }
0x25: {  	[tilespmem:s15], [sflag:$0x1] =	stream.indirect.gather [hbm4b:s4+s14], $0x80, s20, s14, $0xb8;
	[tilespmem:$0x1D000] =	vst v63  }
0x26: {  	p0 =	sne.s32 s19, $0x9E00;
	_ =	swait.ge [sflag:s16], $0x4000  }
.Ltmp0:
0x27: {  	[sflag:s16] =	ssyncset.done $0x0;
	(pc) =	sbr.rel @p0 .LBB2_2-.Ltmp0, $4  }
0x28: {  	s19 =	sadd.s32 $0x2800, s20;
	[sflag:s16] =	ssyncadd.s32 $0xFFFFC000  }
0x29: {  	[spmem:s2] =	stream.indirect.scatter.add.f32 [tilespmem:s15], [sflag:$0x2], $0x80, s19, s14, $0xb8;
	[tilespmem:$0x1D000] =	vst v63  }
0x2a: {  	_ =	swait.ge [sflag:s10], $0x4000  }
0x2b: {  	s19 =	smov.u32 s21;
	[sflag:s10] =	ssyncset.done $0x0  }
0x2c: {  	s18 =	sshra.s32 s18, $0x2;
	[sflag:s10] =	ssyncadd.s32 $0xFFFFC000  }
0x2d: {  	[tilespmem:s15], [sflag:$0x1] =	stream.indirect.gather [hbm4b:s4+s14], $0x80, s18, s14, $0xb8;
	[tilespmem:$0x1D000] =	vst v63  }
0x2e: {  	_ =	swait.ge [sflag:s16], $0x4000  }
0x2f: {  	[sflag:s16] =	ssyncset.done $0x0  }
0x30: {  	s18 =	sadd.s32 $0x2800, s18;
	[sflag:s16] =	ssyncadd.s32 $0xFFFFC000  }
0x31: {  	[spmem:s2] =	stream.indirect.scatter.add.f32 [tilespmem:s15], [sflag:$0x2], $0x80, s18, s14, $0xb8;
	[tilespmem:$0x1D000] =	vst v63  }
0x32: {  	_ =	swait.ge [sflag:s10], $0x4000  }
0x33: {  	s17 =	sadd.s32 $0x1, s17;
	[sflag:s10] =	ssyncset.done $0x0  }
0x34: {  	p0 =	sne.s32 s17, s9;
	[sflag:s10] =	ssyncadd.s32 $0xFFFFC000  }
.Ltmp1:
0x35: {  	[bflag:$0x0] =	sbarrier.arrive $0xFFFF;
	(pc) =	sbr.rel @p0 .LBB2_1-.Ltmp1, $4  }
0x36: {  	[hbm:s8], [sflag:s12] =	dma.local [spmem:s13], $0x2800  }
0x37: {  	_ =	swait.ge [sflag:s10], $0x2800  }
0x38: {  	[sflag:s10] =	ssyncset.done $0x0  }
0x39: {  	[sflag:s10] =	ssyncadd.s32 $0xFFFFD800  }
0x3a: {  	_ =	sfence.sel $0x180000  }
0x3b: {  	[bflag:$0x0] =	sbarrier.arrive $0xFFFF  }
0x3c: {  	p0 =	sne.s32 s0, $0x0;
	_ =	strace $0x90000050  }
0x3d: {  	s0 =	sadd.s32 @!p0 $0x100000, s1;
	[bflag:$0x2] =	sbarrier.arrive $0xFFFF  }
0x3e: {  	[sflag:s0] =	ssyncadd.tile.s32 @!p0 $0x1;
	_ =	shalt  }
.Lfunc_end2:
_tile_overlayer_lowered:
.L_overlay_start_2:
0x3f: {  	(tag) =	ssettag $0x2  }
0x40: {  	s0 =	rddreg [dreg:$0x0];
	s2 =	stileid.u32  }
0x41: {  	s1 =	rddreg [dreg:$0x1];
	p0 =	sne.s32 s2, $0x0  }
0x42: {  	s3 =	rddreg [dreg:$0x2];
	[bflag:$0x3] =	sbarrier.arrive $0xFFFF;
	s2 =	simm.s32 @!p0 $0x1C02  }
0x43: {  	[timem:s3], [sflag:s2] =	dma.local @!p0 [hbm:s0], s1  }
0x44: {  	s0 =	simm.s32 @!p0 $0x2  }
0x45: {  	_ =	swait.ge @!p0 [sflag:s0], s1  }
0x46: {  	s1 =	ssub.s32 @!p0 $0x0, s1;
	[sflag:s0] =	ssyncset.done @!p0 $0x0  }
0x47: {  	[sflag:s0] =	ssyncadd.s32 @!p0 s1  }
0x48: {  	[bflag:$0x3] =	sbarrier.arrive $0xFFFF  }
0x49: {  	_ =	shalt  }

// kernel: kernel.24.cloned.1.call-start
scs
__scs_entry_jumppad:
0x0: {  	(pc) =	sbr.rel $0x88, $3  }
0x1: {  	(tag) =	ssettag $0x0;
	lr =	simm.s32 $0x1  }
0x2: {  	[smem:$0x3F89] =	sst lr;
	_ =	strace $0xD0000000  }
0x3: {  	_ = 	snop  }
0x4: {  	_ = 	snop  }
0x5: {  	_ = 	snop  }
0x6: {  	_ = 	snop  }
0x7: {  	_ = 	snop  }
__scs_overlays_trampoline_lowered:
0x8: {  	[smem:$0x3F98] =	sst s0  }
0x9: {  	[smem:$0x3F99] =	sst s1  }
0xa: {  	[smem:$0x3F9A] =	sst s2  }
0xb: {  	[smem:$0x3F9B] =	sst s3  }
0xc: {  	[smem:$0x3F9C] =	sst s4  }
0xd: {  	[smem:$0x3F9D] =	sst s5  }
0xe: {  	[smem:$0x3F9E] =	sst s6  }
0xf: {  	[smem:$0x3F9F] =	sst s7  }
0x10: {  	[smem:$0x3FA0] =	sst s8  }
0x11: {  	[smem:$0x3FA1] =	sst s9;
	s0 =	simm.s32 @!p0 $0x0  }
0x12: {  	s1 =	sld [smem:$0x3F87];
	s0 =	simm.s32 @p0 $0x1  }
0x13: {  	[smem:$0x3FA2] =	sst s0;
	s0 =	simm.s32 @!p1 $0x0  }
0x14: {  	s2 =	sld [smem:$0x3F86];
	s0 =	simm.s32 @p1 $0x1  }
0x15: {  	[smem:$0x3FA3] =	sst s0;
	s0 =	simm.s32 @!p2 $0x0  }
0x16: {  	s3 =	sld [smem:$0x3FDB];
	s0 =	simm.s32 @p2 $0x1  }
0x17: {  	s4 =	simm.s32 $0x1BF5;
	[smem:$0x3FA5] =	sst s0  }
0x18: {  	s0 =	sld [smem:$0x3F88];
	_ =	swait.ge [sflag:s4], $0x0  }
0x19: {  	s7 =	sld [smem:$0x3F89]  }
0x1a: {  	s8 =	sadd.s32 $0xFFFFE003, lr  }
0x1b: {  	s9 =	sadd.s32 $0xFFFFFEF7, lr;
	s5 =	simm.s32 $0xFFFFFFFF;
	p2 =	slt.u32 s8, $0xFFFFF086  }
0x1c: {  	p1 =	slt.u32 s9, $0xF7A;
	s5 =	simm.s32 @!p2 $0x0  }
0x1d: {  	s5 =	simm.s32 @p1 $0x1;
	p0 =	seq.s32 s7, s2  }
0x1e: {  	s7 =	smul.u32 @!p0 $0xF7A, s2;
	p2 =	seq.s32 @!p0 s5, $0x0  }
0x1f: {  	s9 =	smul.u32 $0xF7A, s1;
	s8 =	simm.s32 @!p0 $0x1BF5;
	p2 =	por !p2, p0  }
0x20: {  	[sflag:s8] =	ssyncset.s32 @!p0 $0xFFFFF086;
	s6 =	sadd.s32 @!p0 s3, s7;
	s7 =	simm.s32 @!p0 $0x108  }
0x21: {  	s3 =	sadd.s32 s3, s9;
	s6 =	sadd.s32 @!p0 $0x88, s6;
	s7 =	simm.s32 @p2 $0x1082  }
0x22: {  	[simem:s7], [sflag:s8] =	dma.local @!p0 [hbm:s6], $0xF7A  }
0x23: {  	s9 =	sor.u32 $0xD0000000, s2;
	s6 =	simm.s32 $0x108;
	_ =	swait.ge @!p0 [sflag:s8], $0x0  }
0x24: {  	s3 =	sadd.s32 $0x88, s3;
	s6 =	simm.s32 @!p1 $0x1082;
	[sflag:s4] =	ssyncset.s32 $0xFFFFF086  }
0x25: {  	[simem:s6], [sflag:s4] =	dma.local [hbm:s3], $0xF7A  }
0x26: {  	[smem:$0x3F89] =	sst s1;
	(tag) =	ssettag s2;
	_ =	strace s9  }
0x27: {  	s1 =	sld [smem:$0x3F99]  }
0x28: {  	s2 =	sld [smem:$0x3F9A]  }
0x29: {  	s4 =	sld [smem:$0x3F9C]  }
0x2a: {  	p0 =	seq.s32 s5, $0x0;
	s5 =	sld [smem:$0x3F9D]  }
0x2b: {  	s6 =	sld [smem:$0x3F9E]  }
0x2c: {  	s7 =	sld [smem:$0x3F9F]  }
0x2d: {  	s3 =	simm.s32 $0x108;
	s8 =	sld [smem:$0x3FA0]  }
0x2e: {  	s3 =	simm.s32 @!p0 $0x1082;
	s9 =	sld [smem:$0x3FA1]  }
0x2f: {  	lr =	sadd.s32 s0, s3;
	s0 =	sld [smem:$0x3F98]  }
0x30: {  	s3 =	sld [smem:$0x3F9B]  }
0x31: {  	[smem:$0x3FA4] =	sst s10  }
0x32: {  	s10 =	sld [smem:$0x3FA2];
	_ =	sdelay $0x3  }
0x33: {  	p0 =	seq.s32 s10, $0x1;
	s10 =	sld [smem:$0x3FA4];
	_ =	sdelay $0x3  }
0x34: {  	[smem:$0x3FA4] =	sst s10  }
0x35: {  	s10 =	sld [smem:$0x3FA3];
	_ =	sdelay $0x3  }
0x36: {  	p1 =	seq.s32 s10, $0x1;
	s10 =	sld [smem:$0x3FA4];
	_ =	sdelay $0x3  }
0x37: {  	[smem:$0x3FA4] =	sst s10  }
0x38: {  	s10 =	sld [smem:$0x3FA5]  }
0x39: {  	_ = 	snop;
	(pc) =	sbr.ind lr, $3  }
0x3a: {  	_ = 	snop  }
0x3b: {  	_ = 	snop  }
0x3c: {  	p2 =	seq.s32 s10, $0x1;
	s10 =	sld [smem:$0x3FA4]  }
0x3d: {  	_ =	shalt  }
0x3e: {  	_ =	shalt  }
0x3f: {  	_ =	shalt  }
0x40: {  	_ =	shalt  }
0x41: {  	_ =	shalt  }
0x42: {  	_ =	shalt  }
0x43: {  	_ =	shalt  }
0x44: {  	_ =	shalt  }
0x45: {  	_ =	shalt  }
0x46: {  	_ =	shalt  }
0x47: {  	_ =	shalt  }
0x48: {  	_ =	shalt  }
0x49: {  	_ =	shalt  }
0x4a: {  	_ =	shalt  }
0x4b: {  	_ =	shalt  }
0x4c: {  	_ =	shalt  }
0x4d: {  	_ =	shalt  }
0x4e: {  	_ =	shalt  }
0x4f: {  	_ =	shalt  }
0x50: {  	_ =	shalt  }
0x51: {  	_ =	shalt  }
0x52: {  	_ =	shalt  }
0x53: {  	_ =	shalt  }
0x54: {  	_ =	shalt  }
0x55: {  	_ =	shalt  }
0x56: {  	_ =	shalt  }
0x57: {  	_ =	shalt  }
0x58: {  	_ =	shalt  }
0x59: {  	_ =	shalt  }
0x5a: {  	_ =	shalt  }
0x5b: {  	_ =	shalt  }
0x5c: {  	_ =	shalt  }
0x5d: {  	_ =	shalt  }
0x5e: {  	_ =	shalt  }
0x5f: {  	_ =	shalt  }
0x60: {  	_ =	shalt  }
0x61: {  	_ =	shalt  }
0x62: {  	_ =	shalt  }
0x63: {  	_ =	shalt  }
0x64: {  	_ =	shalt  }
0x65: {  	_ =	shalt  }
0x66: {  	_ =	shalt  }
0x67: {  	_ =	shalt  }
0x68: {  	_ =	shalt  }
0x69: {  	_ =	shalt  }
0x6a: {  	_ =	shalt  }
0x6b: {  	_ =	shalt  }
0x6c: {  	_ =	shalt  }
0x6d: {  	_ =	shalt  }
0x6e: {  	_ =	shalt  }
0x6f: {  	_ =	shalt  }
0x70: {  	_ =	shalt  }
0x71: {  	_ =	shalt  }
0x72: {  	_ =	shalt  }
0x73: {  	_ =	shalt  }
0x74: {  	_ =	shalt  }
0x75: {  	_ =	shalt  }
0x76: {  	_ =	shalt  }
0x77: {  	_ =	shalt  }
0x78: {  	_ =	shalt  }
0x79: {  	_ =	shalt  }
0x7a: {  	_ =	shalt  }
0x7b: {  	_ =	shalt  }
0x7c: {  	_ =	shalt  }
0x7d: {  	_ =	shalt  }
0x7e: {  	_ =	shalt  }
0x7f: {  	_ =	shalt  }
0x80: {  	_ =	shalt  }
0x81: {  	_ =	shalt  }
0x82: {  	_ =	shalt  }
0x83: {  	_ =	shalt  }
0x84: {  	_ =	shalt  }
0x85: {  	_ =	shalt  }
0x86: {  	_ =	shalt  }
0x87: {  	_ =	shalt  }
.Lfunc_end0:
.L_simem_size_0:
called_computation.4_lowered:
.L_overlay_start_0:
0x88: {  	s2 =	sld [smem:$0x3FD9]  }
0x89: {  	s3 =	sld [smem:$0x3FFE];
	_ =	sdelay $0x1  }
0x8a: {  	s1 =	srdreg.scid  }
0x8b: {  	s0 =	sand.u32 $0x1, s1  }
0x8c: {  	s16 =	sshll.u32 s0, $0xA;
	s2 =	sadd.s32 s3, s2  }
0x8d: {  	s2 =	sadd.s32 s2, s16  }
0x8e: {  	[smem:$0x3FB0] =	sst s2  }
0x8f: {  	_ = 	snop  }
0x90: {  	(tm) =	ssettm $0x1  }
0x91: {  	s17 =	sld [smem:$0x3FFB];
	_ =	sdelay $0x3  }
0x92: {  	_ =	strace s17  }
0x93: {  	s2 =	sld [smem:$0x3FFC];
	_ =	sdelay $0x3  }
0x94: {  	_ =	strace s2  }
0x95: {  	s2 =	sld [smem:$0x3FFD];
	_ =	sdelay $0x3  }
0x96: {  	_ =	strace s2  }
0x97: {  	_ =	strace $0x8FFFFFFF  }
0x98: {  	s18 =	sld [smem:$0x3FDB];
	_ =	sdelay $0x1  }
0x99: {  	s19 =	simm.s32 $_scs_section_size  }
0x9a: {  	s4 =	simm.s32 $_size__tile_overlayer_lowered;
	s5 =	simm.s32 $_tile_overlayer_lowered  }
0x9b: {  	s22 =	simm.s32 $0x1BFF;
	s21 =	sshll.u32 s5, $0x1;
	s2 =	sadd.s32 s19, s18  }
0x9c: {  	s6 =	simm.s32 $0x0;
	s20 =	sshll.u32 s4, $0x1;
	s4 =	sadd.s32 s21, s2  }
0x9d: {  	[timem:s6], [sflag:s22] =	dma.local [hbm:s4], s20  }
0x9e: {  	_ =	swait.ge [sflag:s22], s20  }
0x9f: {  	s3 =	ssub.s32 $0x0, s20;
	[sflag:s22] =	ssyncset.done $0x0  }
0xa0: {  	[sflag:s22] =	ssyncadd.s32 s3;
	_ =	sdelay $0x1  }
0xa1: {  	s23 =	simm.s32 $0x1B8B  }
0xa2: {  	_ =	swait.ge [sflag:s23], $0x1  }
0xa3: {  	[sflag:s23] =	ssyncset.done $0x0  }
0xa4: {  	s25 =	simm.s32 $0x1B8E;
	s24 =	sld [smem:$0x3FFE];
	[sflag:s23] =	ssyncadd.s32 $0xFFFFFFFF  }
0xa5: {  	s26 =	simm.s32 $execute0_lowered;
	[smem:$0x3FD2] =	sst s25  }
0xa6: {  	s4 =	sshll.u32 s26, $0x1;
	_ =	strace $0x80000052;
	[dreg:$0x1] =	wrdreg $0xFFFFFFFF  }
0xa7: {  	s28 =	simm.s32 $_size_execute0_lowered;
	s2 =	sadd.s32 s2, s4;
	[dreg:$0x0] =	wrdreg $0x0  }
0xa8: {  	s4 =	sshll.u32 s28, $0x1;
	[dreg:$0x2] =	wrdreg s2  }
0xa9: {  	[dreg:$0x3] =	wrdreg s4  }
0xaa: {  	[dreg:$0x4] =	wrdreg $0xC0  }
0xab: {  	_ =	task [dreg:s6], $0x5FFFF  }
0xac: {  	[dreg:$0x1] =	wrdreg $0xFFFFFFFF  }
0xad: {  	[dreg:$0x0] =	wrdreg $0x60  }
0xae: {  	[dreg:$0x2] =	wrdreg s24  }
0xaf: {  	[dreg:$0x3] =	wrdreg $0x90000  }
0xb0: {  	[dreg:$0x4] =	wrdreg $0x9  }
0xb1: {  	_ =	task.clear_ibuf [dreg:s6], $0x5FFFF;
	_ =	strace $0x90000052  }
0xb2: {  	s29 =	simm.s32 $0x9;
	_ =	strace $0x80000054  }
0xb3: {  	_ =	swait.ge [sflag:s29], $0x1  }
0xb4: {  	[sflag:s29] =	ssyncadd.s32 $0xFFFFFFFF  }
0xb5: {  	_ =	strace $0x90000054  }
0xb6: {  	_ =	sfence  }
0xb7: {  	s30 =	sld [smem:$0x0];
	_ =	sdelay $0x2  }
0xb8: {  	s31 =	sshll.u32 s1, $0xD;
	s1 =	sshrl.u32 s1, $0x2  }
0xb9: {  	s3 =	sand.u32 $0x4000, s31;
	s1 =	sadd.s32 s1, s30  }
0xba: {  	s0 =	sor.u32 s3, s0;
	s1 =	sshll.u32 s1, $0x11  }
0xbb: {  	s0 =	sor.u32 s1, s0  }
0xbc: {  	s0 =	sadd.s32 $0x8F2B, s0  }
0xbd: {  	[sflag:s0] =	ssyncadd.remote.s32 $0x1  }
0xbe: {  	_ =	sfence.sel $0xFFFF  }
0xbf: {  	[dreg:$0x0] =	wrdreg $0xFFFFFFFF;
	(pc) =	sbr.abs _section_cstart, $3  }
0xc0: {  	[dreg:$0x1] =	wrdreg $0xFFFFFFFF  }
0xc1: {  	_ =	task.clear_ibuf [dreg:s6], $0x2FFFF;
	_ =	strace $0x9FFFFFFF  }
0xc2: {  	(tm) =	ssettm $0x7FFFFFFF  }
0xc3: {  	_ =	shalt  }
tec
execute0_lowered:
.L_overlay_start_1:
0x0: {  	(tag) =	ssettag $0x1  }
0x1: {  	s1 =	srdreg.scid  }
0x2: {  	s0 =	stileid.u32;
	s6 =	rddreg [dreg:$0x0]  }
0x3: {  	s2 =	rddreg [dreg:$0x1];
	s3 =	simm.s32 $0x0;
	s14 =	simm.s32 $0x80  }
0x4: {  	s15 =	simm.s32 $0x5000;
	s16 =	simm.s32 $0x1;
	s17 =	simm.s32 $0x0  }
0x5: {  	s5 =	sand.u32 $0x1, s1;
	s29 =	sshll.u32 s0, $0x1;
	s9 =	smul.u32 $0x14000, s0  }
0x6: {  	[smem:$0x7FF] =	sst s3;
	s4 =	sadd.s32 $0x12200, s6;
	s11 =	smul.u32 $0x50000, s0  }
0x7: {  	s12 =	sshll.u32 s0, $0x6;
	s1 =	sor.u32 s5, s29;
	s8 =	smul.u32 $0x140000, s5  }
0x8: {  	s30 =	ssub.s32 $0x2, s5;
	s5 =	sadd.s32 $0xFA00, s6;
	s12 =	sor.u32 $0x1C02, s12  }
0x9: {  	s7 =	smul.u32 $0x500, s1;
	s1 =	rddreg [dreg:$0x2];
	_ =	strace $0x80000053  }
0xa: {  	s10 =	sshrl.u32 s30, $0x1;
	s31 =	sshrl.u32 s11, $0x2;
	s11 =	simm.s32 $0x2800  }
0xb: {  	s8 =	sadd.s32 s9, s8;
	s9 =	ssub.s32 s30, s10;
	s13 =	sadd.s32 s31, s2  }
0xc: {  	s10 =	simm.s32 $0x2;
	s7 =	sadd.s32 s7, s6;
	s8 =	sshrl.u32 s8, $0x3  }
0xd: {  	s9 =	smax.u32 s9, $0x1;
	s13 =	sshrl.u32 s13, $0x3;
	s8 =	sadd.s32 s8, s6  }
0xe: {  	s6 =	sadd.s32 $0x62A00, s7;
	s7 =	sadd.s32 $0x5A00, s7;
	s8 =	sadd.s32 $0x6CA00, s8  }
.LBB2_1:
0xf: {  	[tilespmem:s3], [sflag:$0x2] =	stream.linear.gather [hbm4b:s6+s3], $0x2800, $0x38;
	[tilespmem:$0x1D000] =	vst v63  }
0x10: {  	_ =	swait.ge [sflag:s10], $0x2800  }
0x11: {  	[sflag:s10] =	ssyncset.done $0x0  }
0x12: {  	[sflag:s10] =	ssyncadd.s32 $0xFFFFD800  }
0x13: {  	[tilespmem:s11], [sflag:$0x2] =	stream.linear.gather [hbm4b:s7+s3], $0x2800, $0x38;
	[tilespmem:$0x1D000] =	vst v63  }
0x14: {  	_ =	swait.ge [sflag:s10], $0x2800  }
0x15: {  	[sflag:s10] =	ssyncset.done $0x0  }
0x16: {  	[sflag:s10] =	ssyncadd.s32 $0xFFFFD800  }
0x17: {  	[spmem:s13], [sflag:s12] =	dma.local [hbm:s5], $0x2800  }
0x18: {  	_ =	swait.ge [sflag:s10], $0x2800  }
0x19: {  	[sflag:s10] =	ssyncset.done $0x0  }
0x1a: {  	[sflag:s10] =	ssyncadd.s32 $0xFFFFD800  }
0x1b: {  	s18 =	simm.s32 $0x0;
	[bflag:$0x0] =	sbarrier.arrive $0xFFFF  }
0x1c: {  	[tilespmem:s15], [sflag:$0x1] =	stream.indirect.gather [hbm4b:s4+s14], $0x80, s18, s14, $0xb8;
	[tilespmem:$0x1D000] =	vst v63  }
0x1d: {  	_ =	swait.ge [sflag:s16], $0x4000  }
0x1e: {  	[sflag:s16] =	ssyncset.done $0x0  }
0x1f: {  	s31 =	simm.s32 $0x2800;
	[sflag:s16] =	ssyncadd.s32 $0xFFFFC000  }
0x20: {  	[spmem:s2] =	stream.indirect.scatter.add.f32 [tilespmem:s15], [sflag:$0x2], $0x80, s31, s14, $0xb8;
	[tilespmem:$0x1D000] =	vst v63  }
0x21: {  	_ =	swait.ge [sflag:s10], $0x4000  }
0x22: {  	s19 =	simm.s32 $0x400;
	s18 =	simm.s32 $0x200;
	[sflag:s10] =	ssyncset.done $0x0  }
.LBB2_2:
0x23: {  	s20 =	sshra.s32 s18, $0x2  }
0x24: {  	[sflag:s10] =	ssyncadd.s32 $0xFFFFC000;
	s18 =	smov.u32 s19;
	s21 =	sadd.s32 $0x200, s19  }
0x25: {  	[tilespmem:s15], [sflag:$0x1] =	stream.indirect.gather [hbm4b:s4+s14], $0x80, s20, s14, $0xb8;
	[tilespmem:$0x1D000] =	vst v63  }
0x26: {  	p0 =	sne.s32 s19, $0x9E00;
	_ =	swait.ge [sflag:s16], $0x4000  }
.Ltmp0:
0x27: {  	[sflag:s16] =	ssyncset.done $0x0;
	(pc) =	sbr.rel @p0 .LBB2_2-.Ltmp0, $4  }
0x28: {  	s19 =	sadd.s32 $0x2800, s20;
	[sflag:s16] =	ssyncadd.s32 $0xFFFFC000  }
0x29: {  	[spmem:s2] =	stream.indirect.scatter.add.f32 [tilespmem:s15], [sflag:$0x2], $0x80, s19, s14, $0xb8;
	[tilespmem:$0x1D000] =	vst v63  }
0x2a: {  	_ =	swait.ge [sflag:s10], $0x4000  }
0x2b: {  	s19 =	smov.u32 s21;
	[sflag:s10] =	ssyncset.done $0x0  }
0x2c: {  	s18 =	sshra.s32 s18, $0x2;
	[sflag:s10] =	ssyncadd.s32 $0xFFFFC000  }
0x2d: {  	[tilespmem:s15], [sflag:$0x1] =	stream.indirect.gather [hbm4b:s4+s14], $0x80, s18, s14, $0xb8;
	[tilespmem:$0x1D000] =	vst v63  }
0x2e: {  	_ =	swait.ge [sflag:s16], $0x4000  }
0x2f: {  	[sflag:s16] =	ssyncset.done $0x0  }
0x30: {  	s18 =	sadd.s32 $0x2800, s18;
	[sflag:s16] =	ssyncadd.s32 $0xFFFFC000  }
0x31: {  	[spmem:s2] =	stream.indirect.scatter.add.f32 [tilespmem:s15], [sflag:$0x2], $0x80, s18, s14, $0xb8;
	[tilespmem:$0x1D000] =	vst v63  }
0x32: {  	_ =	swait.ge [sflag:s10], $0x4000  }
0x33: {  	s17 =	sadd.s32 $0x1, s17;
	[sflag:s10] =	ssyncset.done $0x0  }
0x34: {  	p0 =	sne.s32 s17, s9;
	[sflag:s10] =	ssyncadd.s32 $0xFFFFC000  }
.Ltmp1:
0x35: {  	[bflag:$0x0] =	sbarrier.arrive $0xFFFF;
	(pc) =	sbr.rel @p0 .LBB2_1-.Ltmp1, $4  }
0x36: {  	[hbm:s8], [sflag:s12] =	dma.local [spmem:s13], $0x2800  }
0x37: {  	_ =	swait.ge [sflag:s10], $0x2800  }
0x38: {  	[sflag:s10] =	ssyncset.done $0x0  }
0x39: {  	[sflag:s10] =	ssyncadd.s32 $0xFFFFD800  }
0x3a: {  	_ =	sfence.sel $0x180000  }
0x3b: {  	[bflag:$0x0] =	sbarrier.arrive $0xFFFF  }
0x3c: {  	p0 =	sne.s32 s0, $0x0;
	_ =	strace $0x90000053  }
0x3d: {  	s0 =	sadd.s32 @!p0 $0x100000, s1;
	[bflag:$0x2] =	sbarrier.arrive $0xFFFF  }
0x3e: {  	[sflag:s0] =	ssyncadd.tile.s32 @!p0 $0x1;
	_ =	shalt  }
.Lfunc_end2:
_tile_overlayer_lowered:
.L_overlay_start_2:
0x3f: {  	(tag) =	ssettag $0x2  }
0x40: {  	s0 =	rddreg [dreg:$0x0];
	s2 =	stileid.u32  }
0x41: {  	s1 =	rddreg [dreg:$0x1];
	p0 =	sne.s32 s2, $0x0  }
0x42: {  	s3 =	rddreg [dreg:$0x2];
	[bflag:$0x3] =	sbarrier.arrive $0xFFFF;
	s2 =	simm.s32 @!p0 $0x1C02  }
0x43: {  	[timem:s3], [sflag:s2] =	dma.local @!p0 [hbm:s0], s1  }
0x44: {  	s0 =	simm.s32 @!p0 $0x2  }
0x45: {  	_ =	swait.ge @!p0 [sflag:s0], s1  }
0x46: {  	s1 =	ssub.s32 @!p0 $0x0, s1;
	[sflag:s0] =	ssyncset.done @!p0 $0x0  }
0x47: {  	[sflag:s0] =	ssyncadd.s32 @!p0 s1  }
0x48: {  	[bflag:$0x3] =	sbarrier.arrive $0xFFFF  }
0x49: {  	_ =	shalt  }

</sc_bundles>
